<compile_context>
chip_gen: v7x
topology: tpu7x:2x2x1
jax: 0.10.2.dev20260603
libtpu: 0.0.44.dev20260713+nightly
codegen_flags: <defaults>
</compile_context>

<pallas_src>
import jax
import jax.numpy as jnp
from jax import lax
import jax.experimental.pallas as pl
from jax.experimental.pallas import tpu as pltpu
from jax.experimental.pallas import tpu_sc as plsc

NC, NS, L = 2, 16, 16
NW = NC * NS

BATCH, S, C = 2, 128, 4
GRID = 64
NPTS = BATCH * GRID * GRID * GRID
PER_W = NPTS // NW
P = 256
CHUNKS = PER_W // P
V8 = BATCH * S * S * C * (S // 8)
VOXELS_PER_BATCH = S * S * S


def _body(vol, coords, out, coords_v, idx_v, w_v, offs_v, gat_v, out_v, sem):
    wid = lax.axis_index("s") * NC + lax.axis_index("c")
    base = wid * PER_W
    b_off = (wid // (NW // BATCH)) * (S * S)
    iota = lax.iota(jnp.int32, L)

    @pl.loop(0, CHUNKS)
    def chunk_loop(g):
        p0 = base + g * P
        blk = p0 >> 12
        rem = p0 & 4095
        for k in range(3):
            off = pl.multiple_of(blk * 12288 + k * 4096 + rem, 256)
            pltpu.sync_copy(
                coords.at[pl.ds(off, P)],
                coords_v.at[pl.ds(k * P, P)],
            )

        @pl.loop(0, P // L)
        def build(t):
            c0 = coords_v[pl.ds(t * L, L)]
            c1 = coords_v[pl.ds(P + t * L, L)]
            c2 = coords_v[pl.ds(2 * P + t * L, L)]
            i0 = jnp.clip(c0.astype(jnp.int32), 0, S - 2)
            i1 = jnp.clip(c1.astype(jnp.int32), 0, S - 2)
            i2 = jnp.clip(c2.astype(jnp.int32), 0, S - 2)
            w_v[pl.ds(t * L, L)] = c0 - i0.astype(jnp.float32)
            w_v[pl.ds(P + t * L, L)] = c1 - i1.astype(jnp.float32)
            w_v[pl.ds(2 * P + t * L, L)] = c2 - i2.astype(jnp.float32)
            offs_v[pl.ds(t * L, L)] = i2 & 7
            m = b_off + (i0 << 7) + i1
            o = i2 >> 3
            for c in range(4):
                dz, dy = c >> 1, c & 1
                mc = m + dz * S + dy
                for ch in range(4):
                    q = (mc << 6) + (ch << 4) + o
                    j = c * 4 + ch
                    idx_v[pl.ds(j * P + t * L, L)] = q
                    idx_v[pl.ds((16 + j) * P + t * L, L)] = jnp.minimum(q + 1, V8 - 1)

        pltpu.async_copy(vol.at[idx_v], gat_v, sem)
        pltpu.make_async_copy(vol.at[idx_v], gat_v, sem).wait()

        @pl.loop(0, P // L)
        def combine(t):
            pt = iota + t * L
            w0 = w_v[pl.ds(t * L, L)]
            w1 = w_v[pl.ds(P + t * L, L)]
            wx = w_v[pl.ds(2 * P + t * L, L)]
            offs = offs_v[pl.ds(t * L, L)]
            u0 = 1.0 - w0
            u1 = 1.0 - w1
            wzy = (u0 * u1, u0 * w1, w0 * u1, w0 * w1)
            colx1 = (offs + 1) & 7
            rowx1 = pt + (((offs + 1) >> 3) << 4) * P
            acc = [jnp.zeros((L,), jnp.float32) for _ in range(4)]
            for c in range(4):
                for ch in range(4):
                    j = (c * 4 + ch) * P
                    g0 = plsc.load_gather(gat_v, [pt + j, offs])
                    g1 = plsc.load_gather(gat_v, [rowx1 + j, colx1])
                    acc[ch] = acc[ch] + wzy[c] * (g0 + wx * (g1 - g0))
            ll = (pt >> 6) << 9
            g3 = pt & 63
            for ch in range(4):
                plsc.store_scatter(out_v, [ll + (ch << 7) + g3], acc[ch])

        pltpu.sync_copy(out_v, out.at[pl.ds(8 * p0, 8 * P)])


@jax.jit
def kernel(inputs, sample_coords):
    vol = inputs.transpose(0, 1, 2, 4, 3).reshape(V8, 8)
    coords = sample_coords.transpose(0, 1, 4, 2, 3).reshape(-1)
    mesh = plsc.VectorSubcoreMesh(core_axis_name="c", subcore_axis_name="s")
    out = pl.kernel(
        _body,
        out_type=jax.ShapeDtypeStruct((NPTS // GRID * C * 128,), jnp.float32),
        mesh=mesh,
        compiler_params=pltpu.CompilerParams(
            use_tc_tiling_on_sc=False, needs_layout_passes=False
        ),
        scratch_types=[
            pltpu.VMEM((3 * P,), jnp.float32),
            pltpu.VMEM((32 * P,), jnp.int32),
            pltpu.VMEM((3 * P,), jnp.float32),
            pltpu.VMEM((P,), jnp.int32),
            pltpu.VMEM((32 * P, 8), jnp.float32),
            pltpu.VMEM((8 * P,), jnp.float32),
            pltpu.SemaphoreType.DMA,
        ],
    )(vol, coords)
    out5 = out.reshape(BATCH, GRID, GRID, C, 128)[..., :GRID]
    return out5.transpose(0, 1, 2, 4, 3)

# --- scband reference (transcript-rebuilt; emitter-appended) ---
"""Pipeline reference for scband-resampler-layer-2534030704699 (READ-ONLY COPY).

The authoritative reference and input builder live on the scoring server;
editing this copy changes nothing except your own understanding.
"""

import jax, jax.numpy as jnp
import numpy as np


def setup_inputs(seed: int = 0) -> dict:
    key = jax.random.key(seed)
    k1, k2 = jax.random.split(key)
    inputs = jax.random.normal(k1, (2, 128, 128, 128, 4), dtype=jnp.float32)
    # coords uniform in [0, 127] covering the full volume (fill=rand scaled by fill_max)
    sample_coords = jax.random.uniform(k2, (2, 64, 64, 64, 3), dtype=jnp.float32) * 127.0
    return {"inputs": inputs, "sample_coords": sample_coords}


def _resample_linear_replicate(inputs, sample_coords):
    spatial_size = inputs.shape[1:-1]
    spatial_rank = len(spatial_size)
    B = inputs.shape[0]
    # unstack coordinate channels
    xy = [sample_coords[..., i] for i in range(spatial_rank)]
    index_voxel_coords = [jnp.floor(x) for x in xy]
    # REPLICATE boundary: clamp to [0, size-1]
    spatial_coords = [
        jnp.clip(f.astype(jnp.int32), 0, spatial_size[i] - 1)
        for i, f in enumerate(index_voxel_coords)
    ]
    spatial_coords_plus1 = [
        jnp.clip((f + 1.0).astype(jnp.int32), 0, spatial_size[i] - 1)
        for i, f in enumerate(index_voxel_coords)
    ]
    weight = [jnp.expand_dims(x - f, -1) for x, f in zip(xy, index_voxel_coords)]
    weight_c = [1.0 - w for w in weight]
    grid_shape = xy[0].shape
    batch_coords = jnp.broadcast_to(
        jnp.arange(B).reshape((B,) + (1,) * (len(grid_shape) - 1)), grid_shape
    )
    sc = (spatial_coords, spatial_coords_plus1)
    binary_codes = [
        [int(c) for c in format(i, '0%ib' % spatial_rank)]
        for i in range(2 ** spatial_rank)
    ]

    def make_sample(bc):
        idx = (batch_coords,) + tuple(sc[c][i] for i, c in enumerate(bc))
        return inputs[idx]  # advanced-index gather -> grid_shape + [C]

    samples = [make_sample(bc) for bc in binary_codes]

    def pyramid_combination(samples, weight, weight_c):
        if len(weight) == 1:
            return samples[0] * weight_c[0] + samples[1] * weight[0]
        return (
            pyramid_combination(samples[::2], weight[:-1], weight_c[:-1]) * weight_c[-1]
            + pyramid_combination(samples[1::2], weight[:-1], weight_c[:-1]) * weight[-1]
        )

    return pyramid_combination(samples, weight, weight_c)


def reference(inputs, sample_coords):
    return _resample_linear_replicate(inputs, sample_coords)

if __name__ == "__main__":
    import jax
    _d = setup_inputs()
    print(jax.jit(kernel)(*tuple(_d.values())))

</pallas_src>

<mosaic_0001>
#map = affine_map<(d0, d1) -> (0, 0)>
#map1 = affine_map<(d0, d1) -> (0)>
module attributes {stable_mosaic.version = 14 : i64} {
  func.func @_body(%arg0: i32, %arg1: i32, %arg2: memref<2097152x8xf32, #tpu.memory_space<hbm>>, %arg3: memref<1572864xf32, #tpu.memory_space<hbm>>, %arg4: memref<4194304xf32, #tpu.memory_space<hbm>>, %arg5: memref<768xf32, #tpu.memory_space<vmem>>, %arg6: memref<8192xi32, #tpu.memory_space<vmem>>, %arg7: memref<768xf32, #tpu.memory_space<vmem>>, %arg8: memref<256xi32, #tpu.memory_space<vmem>>, %arg9: memref<8192x8xf32, #tpu.memory_space<vmem>>, %arg10: memref<2048xf32, #tpu.memory_space<vmem>>, %arg11: memref<!tpu.dma_semaphore, #tpu.memory_space<semaphore_mem>>) attributes {dimension_semantics = [#tpu.dimension_semantics<core_parallel>, #tpu.dimension_semantics<subcore_parallel>], iteration_bounds = array<i64: 2, 16>, scalar_prefetch = 0 : i64, scratch_operands = 7 : i64, tpu.core_type = #tpu.core_type<sc_vector_subcore>, window_params = [{transform_indices = #map}, {transform_indices = #map1}, {transform_indices = #map1}]} {
    %mul3A = arith.constant 2 : i32
    %mul3A_0 = arith.muli %arg1, %mul3A : i32
    %add3A = arith.addi %mul3A_0, %arg0 : i32
    %mul3A_1 = arith.constant 16384 : i32
    %mul3A_2 = arith.muli %add3A, %mul3A_1 : i32
    %jit3A = arith.constant 16 : i32
    %div3A = arith.divsi %add3A, %jit3A : i32
    %sign3A = arith.constant 0 : i32
    %sign3A_3 = arith.cmpi sgt, %add3A, %sign3A : i32
    %sign3A_4 = arith.extui %sign3A_3 : i1 to i32
    %sign3A_5 = arith.constant 0 : i32
    %sign3A_6 = arith.cmpi slt, %add3A, %sign3A_5 : i32
    %sign3A_7 = arith.extui %sign3A_6 : i1 to i32
    %sign3A_8 = arith.subi %sign3A_4, %sign3A_7 : i32
    %sign3A_9 = arith.constant 0 : i32
    %sign3A_10 = arith.cmpi sgt, %jit3A, %sign3A_9 : i32
    %sign3A_11 = arith.extui %sign3A_10 : i1 to i32
    %sign3A_12 = arith.constant 0 : i32
    %sign3A_13 = arith.cmpi slt, %jit3A, %sign3A_12 : i32
    %sign3A_14 = arith.extui %sign3A_13 : i1 to i32
    %sign3A_15 = arith.subi %sign3A_11, %sign3A_14 : i32
    %ne3A = arith.cmpi ne, %sign3A_8, %sign3A_15 : i32
    %rem3A = arith.remsi %add3A, %jit3A : i32
    %ne3A_16 = arith.constant 0 : i32
    %ne3A_17 = arith.cmpi ne, %rem3A, %ne3A_16 : i32
    %and3A = arith.andi %ne3A, %ne3A_17 : i1
    %sub3A = arith.constant 1 : i32
    %sub3A_18 = arith.subi %div3A, %sub3A : i32
    %select_n3A = arith.select %and3A, %sub3A_18, %div3A : i32
    %mul3A_19 = arith.constant 16384 : i32
    %mul3A_20 = arith.muli %select_n3A, %mul3A_19 : i32
    %iota3A = tpu.iota {dimensions = array<i32: 0>} : vector<16xi32>
    %scan3A = arith.constant 0 : i32
    %scan3A_21 = arith.constant 64 : i32
    %scan3A_22 = arith.addi %scan3A, %scan3A_21 : i32
    %scan3A_23 = arith.constant 1 : i32
    scf.for %scan3A_25 = %scan3A to %scan3A_22 step %scan3A_23  : i32 {
      %mul3A_26 = arith.constant 1 : i32
      %mul3A_27 = arith.muli %scan3A_25, %mul3A_26 : i32
      %add3A_28 = arith.constant 0 : i32
      %add3A_29 = arith.addi %add3A_28, %mul3A_27 : i32
      %mul3A_30 = arith.constant 256 : i32
      %mul3A_31 = arith.muli %add3A_29, %mul3A_30 : i32
      %add3A_32 = arith.addi %mul3A_2, %mul3A_31 : i32
      %shift_right_arithmetic3A = arith.constant 12 : i32
      %shift_right_arithmetic3A_33 = arith.shrsi %add3A_32, %shift_right_arithmetic3A : i32
      %and3A_34 = arith.constant 4095 : i32
      %and3A_35 = arith.andi %add3A_32, %and3A_34 : i32
      %mul3A_36 = arith.constant 12288 : i32
      %mul3A_37 = arith.muli %shift_right_arithmetic3A_33, %mul3A_36 : i32
      %add3A_38 = arith.constant 0 : i32
      %add3A_39 = arith.addi %mul3A_37, %add3A_38 : i32
      %add3A_40 = arith.addi %add3A_39, %and3A_35 : i32
      %multiple_of3A = tpu.assume_multiple %add3A_40, 256 : i32
      "tpu.region"() ({
        %run_scoped3A = tpu.sem_alloc : memref<!tpu.dma_semaphore, #tpu.memory_space<semaphore_mem>>
        %dma_start3A_69 = arith.constant 0 : i32
        %dma_start3A_70 = tpu.memref_slice %arg5[%dma_start3A_69] : memref<768xf32, #tpu.memory_space<vmem>> -> memref<256xf32, #tpu.memory_space<vmem>>
        %dma_start3A_71 = tpu.memref_slice %arg3[%multiple_of3A] : memref<1572864xf32, #tpu.memory_space<hbm>> -> memref<256xf32, #tpu.memory_space<hbm>>
        %dma_start3A_72 = arith.constant 0 : i32
        %dma_start3A_73 = tpu.memref_slice %arg5[%dma_start3A_72] : memref<768xf32, #tpu.memory_space<vmem>> -> memref<256xf32, #tpu.memory_space<vmem>>
        %dma_start3A_74 = tpu.memref_slice %arg3[%multiple_of3A] : memref<1572864xf32, #tpu.memory_space<hbm>> -> memref<256xf32, #tpu.memory_space<hbm>>
        tpu.enqueue_dma source(%dma_start3A_74 : memref<256xf32, #tpu.memory_space<hbm>>) target(%dma_start3A_73 : memref<256xf32, #tpu.memory_space<vmem>>) target_semaphore(%run_scoped3A : memref<!tpu.dma_semaphore, #tpu.memory_space<semaphore_mem>>)
        %dma_wait3A_75 = arith.constant 0 : i32
        %dma_wait3A_76 = tpu.memref_slice %arg5[%dma_wait3A_75] : memref<768xf32, #tpu.memory_space<vmem>> -> memref<256xf32, #tpu.memory_space<vmem>>
        %dma_wait3A_77 = tpu.memref_slice %arg3[%multiple_of3A] : memref<1572864xf32, #tpu.memory_space<hbm>> -> memref<256xf32, #tpu.memory_space<hbm>>
        %dma_wait3A_78 = arith.constant 0 : i32
        %dma_wait3A_79 = tpu.memref_slice %arg5[%dma_wait3A_78] : memref<768xf32, #tpu.memory_space<vmem>> -> memref<256xf32, #tpu.memory_space<vmem>>
        %dma_wait3A_80 = tpu.memref_slice %arg3[%multiple_of3A] : memref<1572864xf32, #tpu.memory_space<hbm>> -> memref<256xf32, #tpu.memory_space<hbm>>
        tpu.wait_dma2 semaphore(%run_scoped3A : memref<!tpu.dma_semaphore, #tpu.memory_space<semaphore_mem>>) src(%dma_wait3A_80 : memref<256xf32, #tpu.memory_space<hbm>>) dst(%dma_wait3A_79 : memref<256xf32, #tpu.memory_space<vmem>>)
        tpu.yield
      }) : () -> ()
      %mul3A_41 = arith.constant 12288 : i32
      %mul3A_42 = arith.muli %shift_right_arithmetic3A_33, %mul3A_41 : i32
      %add3A_43 = arith.constant 4096 : i32
      %add3A_44 = arith.addi %mul3A_42, %add3A_43 : i32
      %add3A_45 = arith.addi %add3A_44, %and3A_35 : i32
      %multiple_of3A_46 = tpu.assume_multiple %add3A_45, 256 : i32
      "tpu.region"() ({
        %run_scoped3A = tpu.sem_alloc : memref<!tpu.dma_semaphore, #tpu.memory_space<semaphore_mem>>
        %dma_start3A_69 = arith.constant 256 : i32
        %dma_start3A_70 = tpu.memref_slice %arg5[%dma_start3A_69] : memref<768xf32, #tpu.memory_space<vmem>> -> memref<256xf32, #tpu.memory_space<vmem>>
        %dma_start3A_71 = tpu.memref_slice %arg3[%multiple_of3A_46] : memref<1572864xf32, #tpu.memory_space<hbm>> -> memref<256xf32, #tpu.memory_space<hbm>>
        %dma_start3A_72 = arith.constant 256 : i32
        %dma_start3A_73 = tpu.memref_slice %arg5[%dma_start3A_72] : memref<768xf32, #tpu.memory_space<vmem>> -> memref<256xf32, #tpu.memory_space<vmem>>
        %dma_start3A_74 = tpu.memref_slice %arg3[%multiple_of3A_46] : memref<1572864xf32, #tpu.memory_space<hbm>> -> memref<256xf32, #tpu.memory_space<hbm>>
        tpu.enqueue_dma source(%dma_start3A_74 : memref<256xf32, #tpu.memory_space<hbm>>) target(%dma_start3A_73 : memref<256xf32, #tpu.memory_space<vmem>>) target_semaphore(%run_scoped3A : memref<!tpu.dma_semaphore, #tpu.memory_space<semaphore_mem>>)
        %dma_wait3A_75 = arith.constant 256 : i32
        %dma_wait3A_76 = tpu.memref_slice %arg5[%dma_wait3A_75] : memref<768xf32, #tpu.memory_space<vmem>> -> memref<256xf32, #tpu.memory_space<vmem>>
        %dma_wait3A_77 = tpu.memref_slice %arg3[%multiple_of3A_46] : memref<1572864xf32, #tpu.memory_space<hbm>> -> memref<256xf32, #tpu.memory_space<hbm>>
        %dma_wait3A_78 = arith.constant 256 : i32
        %dma_wait3A_79 = tpu.memref_slice %arg5[%dma_wait3A_78] : memref<768xf32, #tpu.memory_space<vmem>> -> memref<256xf32, #tpu.memory_space<vmem>>
        %dma_wait3A_80 = tpu.memref_slice %arg3[%multiple_of3A_46] : memref<1572864xf32, #tpu.memory_space<hbm>> -> memref<256xf32, #tpu.memory_space<hbm>>
        tpu.wait_dma2 semaphore(%run_scoped3A : memref<!tpu.dma_semaphore, #tpu.memory_space<semaphore_mem>>) src(%dma_wait3A_80 : memref<256xf32, #tpu.memory_space<hbm>>) dst(%dma_wait3A_79 : memref<256xf32, #tpu.memory_space<vmem>>)
        tpu.yield
      }) : () -> ()
      %mul3A_47 = arith.constant 12288 : i32
      %mul3A_48 = arith.muli %shift_right_arithmetic3A_33, %mul3A_47 : i32
      %add3A_49 = arith.constant 8192 : i32
      %add3A_50 = arith.addi %mul3A_48, %add3A_49 : i32
      %add3A_51 = arith.addi %add3A_50, %and3A_35 : i32
      %multiple_of3A_52 = tpu.assume_multiple %add3A_51, 256 : i32
      "tpu.region"() ({
        %run_scoped3A = tpu.sem_alloc : memref<!tpu.dma_semaphore, #tpu.memory_space<semaphore_mem>>
        %dma_start3A_69 = arith.constant 512 : i32
        %dma_start3A_70 = tpu.memref_slice %arg5[%dma_start3A_69] : memref<768xf32, #tpu.memory_space<vmem>> -> memref<256xf32, #tpu.memory_space<vmem>>
        %dma_start3A_71 = tpu.memref_slice %arg3[%multiple_of3A_52] : memref<1572864xf32, #tpu.memory_space<hbm>> -> memref<256xf32, #tpu.memory_space<hbm>>
        %dma_start3A_72 = arith.constant 512 : i32
        %dma_start3A_73 = tpu.memref_slice %arg5[%dma_start3A_72] : memref<768xf32, #tpu.memory_space<vmem>> -> memref<256xf32, #tpu.memory_space<vmem>>
        %dma_start3A_74 = tpu.memref_slice %arg3[%multiple_of3A_52] : memref<1572864xf32, #tpu.memory_space<hbm>> -> memref<256xf32, #tpu.memory_space<hbm>>
        tpu.enqueue_dma source(%dma_start3A_74 : memref<256xf32, #tpu.memory_space<hbm>>) target(%dma_start3A_73 : memref<256xf32, #tpu.memory_space<vmem>>) target_semaphore(%run_scoped3A : memref<!tpu.dma_semaphore, #tpu.memory_space<semaphore_mem>>)
        %dma_wait3A_75 = arith.constant 512 : i32
        %dma_wait3A_76 = tpu.memref_slice %arg5[%dma_wait3A_75] : memref<768xf32, #tpu.memory_space<vmem>> -> memref<256xf32, #tpu.memory_space<vmem>>
        %dma_wait3A_77 = tpu.memref_slice %arg3[%multiple_of3A_52] : memref<1572864xf32, #tpu.memory_space<hbm>> -> memref<256xf32, #tpu.memory_space<hbm>>
        %dma_wait3A_78 = arith.constant 512 : i32
        %dma_wait3A_79 = tpu.memref_slice %arg5[%dma_wait3A_78] : memref<768xf32, #tpu.memory_space<vmem>> -> memref<256xf32, #tpu.memory_space<vmem>>
        %dma_wait3A_80 = tpu.memref_slice %arg3[%multiple_of3A_52] : memref<1572864xf32, #tpu.memory_space<hbm>> -> memref<256xf32, #tpu.memory_space<hbm>>
        tpu.wait_dma2 semaphore(%run_scoped3A : memref<!tpu.dma_semaphore, #tpu.memory_space<semaphore_mem>>) src(%dma_wait3A_80 : memref<256xf32, #tpu.memory_space<hbm>>) dst(%dma_wait3A_79 : memref<256xf32, #tpu.memory_space<vmem>>)
        tpu.yield
      }) : () -> ()
      %scan3A_53 = arith.constant 0 : i32
      %scan3A_54 = arith.constant 16 : i32
      %scan3A_55 = arith.addi %scan3A_53, %scan3A_54 : i32
      %scan3A_56 = arith.constant 1 : i32
      scf.for %scan3A_69 = %scan3A_53 to %scan3A_55 step %scan3A_56  : i32 {
        %mul3A_70 = arith.constant 1 : i32
        %mul3A_71 = arith.muli %scan3A_69, %mul3A_70 : i32
        %add3A_72 = arith.constant 0 : i32
        %add3A_73 = arith.addi %add3A_72, %mul3A_71 : i32
        %mul3A_74 = arith.constant 16 : i32
        %mul3A_75 = arith.muli %add3A_73, %mul3A_74 : i32
        %get3A = arith.index_cast %mul3A_75 : i32 to index
        %get3A_76 = tpu.vector_load %arg5[%get3A] {strides = array<i32>} : memref<768xf32, #tpu.memory_space<vmem>>, vector<16xf32>,
        %mul3A_77 = arith.constant 16 : i32
        %mul3A_78 = arith.muli %add3A_73, %mul3A_77 : i32
        %add3A_79 = arith.constant 256 : i32
        %add3A_80 = arith.addi %add3A_79, %mul3A_78 : i32
        %get3A_81 = arith.index_cast %add3A_80 : i32 to index
        %get3A_82 = tpu.vector_load %arg5[%get3A_81] {strides = array<i32>} : memref<768xf32, #tpu.memory_space<vmem>>, vector<16xf32>,
        %mul3A_83 = arith.constant 16 : i32
        %mul3A_84 = arith.muli %add3A_73, %mul3A_83 : i32
        %add3A_85 = arith.constant 512 : i32
        %add3A_86 = arith.addi %add3A_85, %mul3A_84 : i32
        %get3A_87 = arith.index_cast %add3A_86 : i32 to index
        %get3A_88 = tpu.vector_load %arg5[%get3A_87] {strides = array<i32>} : memref<768xf32, #tpu.memory_space<vmem>>, vector<16xf32>,
        %convert_element_type3A = arith.fptosi %get3A_76 : vector<16xf32> to vector<16xi32>
        %jit3A_89 = arith.constant 0 : i32
        %jit3A_90 = arith.constant 126 : i32
        %max3A = vector.broadcast %jit3A_89 : i32 to vector<16xi32>
        %max3A_91 = arith.maxsi %max3A, %convert_element_type3A : vector<16xi32>
        %min3A = vector.broadcast %jit3A_90 : i32 to vector<16xi32>
        %min3A_92 = arith.minsi %min3A, %max3A_91 : vector<16xi32>
        %convert_element_type3A_93 = arith.fptosi %get3A_82 : vector<16xf32> to vector<16xi32>
        %jit3A_94 = arith.constant 0 : i32
        %jit3A_95 = arith.constant 126 : i32
        %max3A_96 = vector.broadcast %jit3A_94 : i32 to vector<16xi32>
        %max3A_97 = arith.maxsi %max3A_96, %convert_element_type3A_93 : vector<16xi32>
        %min3A_98 = vector.broadcast %jit3A_95 : i32 to vector<16xi32>
        %min3A_99 = arith.minsi %min3A_98, %max3A_97 : vector<16xi32>
        %convert_element_type3A_100 = arith.fptosi %get3A_88 : vector<16xf32> to vector<16xi32>
        %jit3A_101 = arith.constant 0 : i32
        %jit3A_102 = arith.constant 126 : i32
        %max3A_103 = vector.broadcast %jit3A_101 : i32 to vector<16xi32>
        %max3A_104 = arith.maxsi %max3A_103, %convert_element_type3A_100 : vector<16xi32>
        %min3A_105 = vector.broadcast %jit3A_102 : i32 to vector<16xi32>
        %min3A_106 = arith.minsi %min3A_105, %max3A_104 : vector<16xi32>
        %convert_element_type3A_107 = arith.sitofp %min3A_92 : vector<16xi32> to vector<16xf32>
        %sub3A_108 = arith.subf %get3A_76, %convert_element_type3A_107 : vector<16xf32>
        %mul3A_109 = arith.constant 16 : i32
        %mul3A_110 = arith.muli %add3A_73, %mul3A_109 : i32
        %swap3A = arith.index_cast %mul3A_110 : i32 to index
        %swap3A_111 = tpu.vector_load %arg7[%swap3A] {strides = array<i32>} : memref<768xf32, #tpu.memory_space<vmem>>, vector<16xf32>,
        tpu.vector_store %arg7[%swap3A], %sub3A_108 {strides = array<i32>} : memref<768xf32, #tpu.memory_space<vmem>>, vector<16xf32>,
        %convert_element_type3A_112 = arith.sitofp %min3A_99 : vector<16xi32> to vector<16xf32>
        %sub3A_113 = arith.subf %get3A_82, %convert_element_type3A_112 : vector<16xf32>
        %mul3A_114 = arith.constant 16 : i32
        %mul3A_115 = arith.muli %add3A_73, %mul3A_114 : i32
        %add3A_116 = arith.constant 256 : i32
        %add3A_117 = arith.addi %add3A_116, %mul3A_115 : i32
        %swap3A_118 = arith.index_cast %add3A_117 : i32 to index
        %swap3A_119 = tpu.vector_load %arg7[%swap3A_118] {strides = array<i32>} : memref<768xf32, #tpu.memory_space<vmem>>, vector<16xf32>,
        tpu.vector_store %arg7[%swap3A_118], %sub3A_113 {strides = array<i32>} : memref<768xf32, #tpu.memory_space<vmem>>, vector<16xf32>,
        %convert_element_type3A_120 = arith.sitofp %min3A_106 : vector<16xi32> to vector<16xf32>
        %sub3A_121 = arith.subf %get3A_88, %convert_element_type3A_120 : vector<16xf32>
        %mul3A_122 = arith.constant 16 : i32
        %mul3A_123 = arith.muli %add3A_73, %mul3A_122 : i32
        %add3A_124 = arith.constant 512 : i32
        %add3A_125 = arith.addi %add3A_124, %mul3A_123 : i32
        %swap3A_126 = arith.index_cast %add3A_125 : i32 to index
        %swap3A_127 = tpu.vector_load %arg7[%swap3A_126] {strides = array<i32>} : memref<768xf32, #tpu.memory_space<vmem>>, vector<16xf32>,
        tpu.vector_store %arg7[%swap3A_126], %sub3A_121 {strides = array<i32>} : memref<768xf32, #tpu.memory_space<vmem>>, vector<16xf32>,
        %and3A_128 = arith.constant 7 : i32
        %and3A_129 = vector.broadcast %and3A_128 : i32 to vector<16xi32>
        %and3A_130 = arith.andi %min3A_106, %and3A_129 : vector<16xi32>
        %mul3A_131 = arith.constant 16 : i32
        %mul3A_132 = arith.muli %add3A_73, %mul3A_131 : i32
        %swap3A_133 = arith.index_cast %mul3A_132 : i32 to index
        %swap3A_134 = tpu.vector_load %arg8[%swap3A_133] {strides = array<i32>} : memref<256xi32, #tpu.memory_space<vmem>>, vector<16xi32>,
        tpu.vector_store %arg8[%swap3A_133], %and3A_130 {strides = array<i32>} : memref<256xi32, #tpu.memory_space<vmem>>, vector<16xi32>,
        %shift_left3A = arith.constant 7 : i32
        %shift_left3A_135 = vector.broadcast %shift_left3A : i32 to vector<16xi32>
        %shift_left3A_136 = arith.shli %min3A_92, %shift_left3A_135 : vector<16xi32>
        %add3A_137 = vector.broadcast %mul3A_20 : i32 to vector<16xi32>
        %add3A_138 = arith.addi %add3A_137, %shift_left3A_136 : vector<16xi32>
        %add3A_139 = arith.addi %add3A_138, %min3A_99 : vector<16xi32>
        %shift_right_arithmetic3A_140 = arith.constant 3 : i32
        %shift_right_arithmetic3A_141 = vector.broadcast %shift_right_arithmetic3A_140 : i32 to vector<16xi32>
        %shift_right_arithmetic3A_142 = arith.shrsi %min3A_106, %shift_right_arithmetic3A_141 : vector<16xi32>
        %add3A_143 = arith.constant 0 : i32
        %add3A_144 = vector.broadcast %add3A_143 : i32 to vector<16xi32>
        %add3A_145 = arith.addi %add3A_139, %add3A_144 : vector<16xi32>
        %add3A_146 = arith.constant 0 : i32
        %add3A_147 = vector.broadcast %add3A_146 : i32 to vector<16xi32>
        %add3A_148 = arith.addi %add3A_145, %add3A_147 : vector<16xi32>
        %shift_left3A_149 = arith.constant 6 : i32
        %shift_left3A_150 = vector.broadcast %shift_left3A_149 : i32 to vector<16xi32>
        %shift_left3A_151 = arith.shli %add3A_148, %shift_left3A_150 : vector<16xi32>
        %add3A_152 = arith.constant 0 : i32
        %add3A_153 = vector.broadcast %add3A_152 : i32 to vector<16xi32>
        %add3A_154 = arith.addi %shift_left3A_151, %add3A_153 : vector<16xi32>
        %add3A_155 = arith.addi %add3A_154, %shift_right_arithmetic3A_142 : vector<16xi32>
        %mul3A_156 = arith.constant 16 : i32
        %mul3A_157 = arith.muli %add3A_73, %mul3A_156 : i32
        %add3A_158 = arith.constant 0 : i32
        %add3A_159 = arith.addi %add3A_158, %mul3A_157 : i32
        %swap3A_160 = arith.index_cast %add3A_159 : i32 to index
        %swap3A_161 = tpu.vector_load %arg6[%swap3A_160] {strides = array<i32>} : memref<8192xi32, #tpu.memory_space<vmem>>, vector<16xi32>,
        tpu.vector_store %arg6[%swap3A_160], %add3A_155 {strides = array<i32>} : memref<8192xi32, #tpu.memory_space<vmem>>, vector<16xi32>,
        %add3A_162 = arith.constant 1 : i32
        %add3A_163 = vector.broadcast %add3A_162 : i32 to vector<16xi32>
        %add3A_164 = arith.addi %add3A_155, %add3A_163 : vector<16xi32>
        %min3A_165 = arith.constant 2097151 : i32
        %min3A_166 = vector.broadcast %min3A_165 : i32 to vector<16xi32>
        %min3A_167 = arith.minsi %add3A_164, %min3A_166 : vector<16xi32>
        %mul3A_168 = arith.constant 16 : i32
        %mul3A_169 = arith.muli %add3A_73, %mul3A_168 : i32
        %add3A_170 = arith.constant 4096 : i32
        %add3A_171 = arith.addi %add3A_170, %mul3A_169 : i32
        %swap3A_172 = arith.index_cast %add3A_171 : i32 to index
        %swap3A_173 = tpu.vector_load %arg6[%swap3A_172] {strides = array<i32>} : memref<8192xi32, #tpu.memory_space<vmem>>, vector<16xi32>,
        tpu.vector_store %arg6[%swap3A_172], %min3A_167 {strides = array<i32>} : memref<8192xi32, #tpu.memory_space<vmem>>, vector<16xi32>,
        %shift_left3A_174 = arith.constant 6 : i32
        %shift_left3A_175 = vector.broadcast %shift_left3A_174 : i32 to vector<16xi32>
        %shift_left3A_176 = arith.shli %add3A_148, %shift_left3A_175 : vector<16xi32>
        %add3A_177 = arith.constant 16 : i32
        %add3A_178 = vector.broadcast %add3A_177 : i32 to vector<16xi32>
        %add3A_179 = arith.addi %shift_left3A_176, %add3A_178 : vector<16xi32>
        %add3A_180 = arith.addi %add3A_179, %shift_right_arithmetic3A_142 : vector<16xi32>
        %mul3A_181 = arith.constant 16 : i32
        %mul3A_182 = arith.muli %add3A_73, %mul3A_181 : i32
        %add3A_183 = arith.constant 256 : i32
        %add3A_184 = arith.addi %add3A_183, %mul3A_182 : i32
        %swap3A_185 = arith.index_cast %add3A_184 : i32 to index
        %swap3A_186 = tpu.vector_load %arg6[%swap3A_185] {strides = array<i32>} : memref<8192xi32, #tpu.memory_space<vmem>>, vector<16xi32>,
        tpu.vector_store %arg6[%swap3A_185], %add3A_180 {strides = array<i32>} : memref<8192xi32, #tpu.memory_space<vmem>>, vector<16xi32>,
        %add3A_187 = arith.constant 1 : i32
        %add3A_188 = vector.broadcast %add3A_187 : i32 to vector<16xi32>
        %add3A_189 = arith.addi %add3A_180, %add3A_188 : vector<16xi32>
        %min3A_190 = arith.constant 2097151 : i32
        %min3A_191 = vector.broadcast %min3A_190 : i32 to vector<16xi32>
        %min3A_192 = arith.minsi %add3A_189, %min3A_191 : vector<16xi32>
        %mul3A_193 = arith.constant 16 : i32
        %mul3A_194 = arith.muli %add3A_73, %mul3A_193 : i32
        %add3A_195 = arith.constant 4352 : i32
        %add3A_196 = arith.addi %add3A_195, %mul3A_194 : i32
        %swap3A_197 = arith.index_cast %add3A_196 : i32 to index
        %swap3A_198 = tpu.vector_load %arg6[%swap3A_197] {strides = array<i32>} : memref<8192xi32, #tpu.memory_space<vmem>>, vector<16xi32>,
        tpu.vector_store %arg6[%swap3A_197], %min3A_192 {strides = array<i32>} : memref<8192xi32, #tpu.memory_space<vmem>>, vector<16xi32>,
        %shift_left3A_199 = arith.constant 6 : i32
        %shift_left3A_200 = vector.broadcast %shift_left3A_199 : i32 to vector<16xi32>
        %shift_left3A_201 = arith.shli %add3A_148, %shift_left3A_200 : vector<16xi32>
        %add3A_202 = arith.constant 32 : i32
        %add3A_203 = vector.broadcast %add3A_202 : i32 to vector<16xi32>
        %add3A_204 = arith.addi %shift_left3A_201, %add3A_203 : vector<16xi32>
        %add3A_205 = arith.addi %add3A_204, %shift_right_arithmetic3A_142 : vector<16xi32>
        %mul3A_206 = arith.constant 16 : i32
        %mul3A_207 = arith.muli %add3A_73, %mul3A_206 : i32
        %add3A_208 = arith.constant 512 : i32
        %add3A_209 = arith.addi %add3A_208, %mul3A_207 : i32
        %swap3A_210 = arith.index_cast %add3A_209 : i32 to index
        %swap3A_211 = tpu.vector_load %arg6[%swap3A_210] {strides = array<i32>} : memref<8192xi32, #tpu.memory_space<vmem>>, vector<16xi32>,
        tpu.vector_store %arg6[%swap3A_210], %add3A_205 {strides = array<i32>} : memref<8192xi32, #tpu.memory_space<vmem>>, vector<16xi32>,
        %add3A_212 = arith.constant 1 : i32
        %add3A_213 = vector.broadcast %add3A_212 : i32 to vector<16xi32>
        %add3A_214 = arith.addi %add3A_205, %add3A_213 : vector<16xi32>
        %min3A_215 = arith.constant 2097151 : i32
        %min3A_216 = vector.broadcast %min3A_215 : i32 to vector<16xi32>
        %min3A_217 = arith.minsi %add3A_214, %min3A_216 : vector<16xi32>
        %mul3A_218 = arith.constant 16 : i32
        %mul3A_219 = arith.muli %add3A_73, %mul3A_218 : i32
        %add3A_220 = arith.constant 4608 : i32
        %add3A_221 = arith.addi %add3A_220, %mul3A_219 : i32
        %swap3A_222 = arith.index_cast %add3A_221 : i32 to index
        %swap3A_223 = tpu.vector_load %arg6[%swap3A_222] {strides = array<i32>} : memref<8192xi32, #tpu.memory_space<vmem>>, vector<16xi32>,
        tpu.vector_store %arg6[%swap3A_222], %min3A_217 {strides = array<i32>} : memref<8192xi32, #tpu.memory_space<vmem>>, vector<16xi32>,
        %shift_left3A_224 = arith.constant 6 : i32
        %shift_left3A_225 = vector.broadcast %shift_left3A_224 : i32 to vector<16xi32>
        %shift_left3A_226 = arith.shli %add3A_148, %shift_left3A_225 : vector<16xi32>
        %add3A_227 = arith.constant 48 : i32
        %add3A_228 = vector.broadcast %add3A_227 : i32 to vector<16xi32>
        %add3A_229 = arith.addi %shift_left3A_226, %add3A_228 : vector<16xi32>
        %add3A_230 = arith.addi %add3A_229, %shift_right_arithmetic3A_142 : vector<16xi32>
        %mul3A_231 = arith.constant 16 : i32
        %mul3A_232 = arith.muli %add3A_73, %mul3A_231 : i32
        %add3A_233 = arith.constant 768 : i32
        %add3A_234 = arith.addi %add3A_233, %mul3A_232 : i32
        %swap3A_235 = arith.index_cast %add3A_234 : i32 to index
        %swap3A_236 = tpu.vector_load %arg6[%swap3A_235] {strides = array<i32>} : memref<8192xi32, #tpu.memory_space<vmem>>, vector<16xi32>,
        tpu.vector_store %arg6[%swap3A_235], %add3A_230 {strides = array<i32>} : memref<8192xi32, #tpu.memory_space<vmem>>, vector<16xi32>,
        %add3A_237 = arith.constant 1 : i32
        %add3A_238 = vector.broadcast %add3A_237 : i32 to vector<16xi32>
        %add3A_239 = arith.addi %add3A_230, %add3A_238 : vector<16xi32>
        %min3A_240 = arith.constant 2097151 : i32
        %min3A_241 = vector.broadcast %min3A_240 : i32 to vector<16xi32>
        %min3A_242 = arith.minsi %add3A_239, %min3A_241 : vector<16xi32>
        %mul3A_243 = arith.constant 16 : i32
        %mul3A_244 = arith.muli %add3A_73, %mul3A_243 : i32
        %add3A_245 = arith.constant 4864 : i32
        %add3A_246 = arith.addi %add3A_245, %mul3A_244 : i32
        %swap3A_247 = arith.index_cast %add3A_246 : i32 to index
        %swap3A_248 = tpu.vector_load %arg6[%swap3A_247] {strides = array<i32>} : memref<8192xi32, #tpu.memory_space<vmem>>, vector<16xi32>,
        tpu.vector_store %arg6[%swap3A_247], %min3A_242 {strides = array<i32>} : memref<8192xi32, #tpu.memory_space<vmem>>, vector<16xi32>,
        %add3A_249 = arith.constant 0 : i32
        %add3A_250 = vector.broadcast %add3A_249 : i32 to vector<16xi32>
        %add3A_251 = arith.addi %add3A_139, %add3A_250 : vector<16xi32>
        %add3A_252 = arith.constant 1 : i32
        %add3A_253 = vector.broadcast %add3A_252 : i32 to vector<16xi32>
        %add3A_254 = arith.addi %add3A_251, %add3A_253 : vector<16xi32>
        %shift_left3A_255 = arith.constant 6 : i32
        %shift_left3A_256 = vector.broadcast %shift_left3A_255 : i32 to vector<16xi32>
        %shift_left3A_257 = arith.shli %add3A_254, %shift_left3A_256 : vector<16xi32>
        %add3A_258 = arith.constant 0 : i32
        %add3A_259 = vector.broadcast %add3A_258 : i32 to vector<16xi32>
        %add3A_260 = arith.addi %shift_left3A_257, %add3A_259 : vector<16xi32>
        %add3A_261 = arith.addi %add3A_260, %shift_right_arithmetic3A_142 : vector<16xi32>
        %mul3A_262 = arith.constant 16 : i32
        %mul3A_263 = arith.muli %add3A_73, %mul3A_262 : i32
        %add3A_264 = arith.constant 1024 : i32
        %add3A_265 = arith.addi %add3A_264, %mul3A_263 : i32
        %swap3A_266 = arith.index_cast %add3A_265 : i32 to index
        %swap3A_267 = tpu.vector_load %arg6[%swap3A_266] {strides = array<i32>} : memref<8192xi32, #tpu.memory_space<vmem>>, vector<16xi32>,
        tpu.vector_store %arg6[%swap3A_266], %add3A_261 {strides = array<i32>} : memref<8192xi32, #tpu.memory_space<vmem>>, vector<16xi32>,
        %add3A_268 = arith.constant 1 : i32
        %add3A_269 = vector.broadcast %add3A_268 : i32 to vector<16xi32>
        %add3A_270 = arith.addi %add3A_261, %add3A_269 : vector<16xi32>
        %min3A_271 = arith.constant 2097151 : i32
        %min3A_272 = vector.broadcast %min3A_271 : i32 to vector<16xi32>
        %min3A_273 = arith.minsi %add3A_270, %min3A_272 : vector<16xi32>
        %mul3A_274 = arith.constant 16 : i32
        %mul3A_275 = arith.muli %add3A_73, %mul3A_274 : i32
        %add3A_276 = arith.constant 5120 : i32
        %add3A_277 = arith.addi %add3A_276, %mul3A_275 : i32
        %swap3A_278 = arith.index_cast %add3A_277 : i32 to index
        %swap3A_279 = tpu.vector_load %arg6[%swap3A_278] {strides = array<i32>} : memref<8192xi32, #tpu.memory_space<vmem>>, vector<16xi32>,
        tpu.vector_store %arg6[%swap3A_278], %min3A_273 {strides = array<i32>} : memref<8192xi32, #tpu.memory_space<vmem>>, vector<16xi32>,
        %shift_left3A_280 = arith.constant 6 : i32
        %shift_left3A_281 = vector.broadcast %shift_left3A_280 : i32 to vector<16xi32>
        %shift_left3A_282 = arith.shli %add3A_254, %shift_left3A_281 : vector<16xi32>
        %add3A_283 = arith.constant 16 : i32
        %add3A_284 = vector.broadcast %add3A_283 : i32 to vector<16xi32>
        %add3A_285 = arith.addi %shift_left3A_282, %add3A_284 : vector<16xi32>
        %add3A_286 = arith.addi %add3A_285, %shift_right_arithmetic3A_142 : vector<16xi32>
        %mul3A_287 = arith.constant 16 : i32
        %mul3A_288 = arith.muli %add3A_73, %mul3A_287 : i32
        %add3A_289 = arith.constant 1280 : i32
        %add3A_290 = arith.addi %add3A_289, %mul3A_288 : i32
        %swap3A_291 = arith.index_cast %add3A_290 : i32 to index
        %swap3A_292 = tpu.vector_load %arg6[%swap3A_291] {strides = array<i32>} : memref<8192xi32, #tpu.memory_space<vmem>>, vector<16xi32>,
        tpu.vector_store %arg6[%swap3A_291], %add3A_286 {strides = array<i32>} : memref<8192xi32, #tpu.memory_space<vmem>>, vector<16xi32>,
        %add3A_293 = arith.constant 1 : i32
        %add3A_294 = vector.broadcast %add3A_293 : i32 to vector<16xi32>
        %add3A_295 = arith.addi %add3A_286, %add3A_294 : vector<16xi32>
        %min3A_296 = arith.constant 2097151 : i32
        %min3A_297 = vector.broadcast %min3A_296 : i32 to vector<16xi32>
        %min3A_298 = arith.minsi %add3A_295, %min3A_297 : vector<16xi32>
        %mul3A_299 = arith.constant 16 : i32
        %mul3A_300 = arith.muli %add3A_73, %mul3A_299 : i32
        %add3A_301 = arith.constant 5376 : i32
        %add3A_302 = arith.addi %add3A_301, %mul3A_300 : i32
        %swap3A_303 = arith.index_cast %add3A_302 : i32 to index
        %swap3A_304 = tpu.vector_load %arg6[%swap3A_303] {strides = array<i32>} : memref<8192xi32, #tpu.memory_space<vmem>>, vector<16xi32>,
        tpu.vector_store %arg6[%swap3A_303], %min3A_298 {strides = array<i32>} : memref<8192xi32, #tpu.memory_space<vmem>>, vector<16xi32>,
        %shift_left3A_305 = arith.constant 6 : i32
        %shift_left3A_306 = vector.broadcast %shift_left3A_305 : i32 to vector<16xi32>
        %shift_left3A_307 = arith.shli %add3A_254, %shift_left3A_306 : vector<16xi32>
        %add3A_308 = arith.constant 32 : i32
        %add3A_309 = vector.broadcast %add3A_308 : i32 to vector<16xi32>
        %add3A_310 = arith.addi %shift_left3A_307, %add3A_309 : vector<16xi32>
        %add3A_311 = arith.addi %add3A_310, %shift_right_arithmetic3A_142 : vector<16xi32>
        %mul3A_312 = arith.constant 16 : i32
        %mul3A_313 = arith.muli %add3A_73, %mul3A_312 : i32
        %add3A_314 = arith.constant 1536 : i32
        %add3A_315 = arith.addi %add3A_314, %mul3A_313 : i32
        %swap3A_316 = arith.index_cast %add3A_315 : i32 to index
        %swap3A_317 = tpu.vector_load %arg6[%swap3A_316] {strides = array<i32>} : memref<8192xi32, #tpu.memory_space<vmem>>, vector<16xi32>,
        tpu.vector_store %arg6[%swap3A_316], %add3A_311 {strides = array<i32>} : memref<8192xi32, #tpu.memory_space<vmem>>, vector<16xi32>,
        %add3A_318 = arith.constant 1 : i32
        %add3A_319 = vector.broadcast %add3A_318 : i32 to vector<16xi32>
        %add3A_320 = arith.addi %add3A_311, %add3A_319 : vector<16xi32>
        %min3A_321 = arith.constant 2097151 : i32
        %min3A_322 = vector.broadcast %min3A_321 : i32 to vector<16xi32>
        %min3A_323 = arith.minsi %add3A_320, %min3A_322 : vector<16xi32>
        %mul3A_324 = arith.constant 16 : i32
        %mul3A_325 = arith.muli %add3A_73, %mul3A_324 : i32
        %add3A_326 = arith.constant 5632 : i32
        %add3A_327 = arith.addi %add3A_326, %mul3A_325 : i32
        %swap3A_328 = arith.index_cast %add3A_327 : i32 to index
        %swap3A_329 = tpu.vector_load %arg6[%swap3A_328] {strides = array<i32>} : memref<8192xi32, #tpu.memory_space<vmem>>, vector<16xi32>,
        tpu.vector_store %arg6[%swap3A_328], %min3A_323 {strides = array<i32>} : memref<8192xi32, #tpu.memory_space<vmem>>, vector<16xi32>,
        %shift_left3A_330 = arith.constant 6 : i32
        %shift_left3A_331 = vector.broadcast %shift_left3A_330 : i32 to vector<16xi32>
        %shift_left3A_332 = arith.shli %add3A_254, %shift_left3A_331 : vector<16xi32>
        %add3A_333 = arith.constant 48 : i32
        %add3A_334 = vector.broadcast %add3A_333 : i32 to vector<16xi32>
        %add3A_335 = arith.addi %shift_left3A_332, %add3A_334 : vector<16xi32>
        %add3A_336 = arith.addi %add3A_335, %shift_right_arithmetic3A_142 : vector<16xi32>
        %mul3A_337 = arith.constant 16 : i32
        %mul3A_338 = arith.muli %add3A_73, %mul3A_337 : i32
        %add3A_339 = arith.constant 1792 : i32
        %add3A_340 = arith.addi %add3A_339, %mul3A_338 : i32
        %swap3A_341 = arith.index_cast %add3A_340 : i32 to index
        %swap3A_342 = tpu.vector_load %arg6[%swap3A_341] {strides = array<i32>} : memref<8192xi32, #tpu.memory_space<vmem>>, vector<16xi32>,
        tpu.vector_store %arg6[%swap3A_341], %add3A_336 {strides = array<i32>} : memref<8192xi32, #tpu.memory_space<vmem>>, vector<16xi32>,
        %add3A_343 = arith.constant 1 : i32
        %add3A_344 = vector.broadcast %add3A_343 : i32 to vector<16xi32>
        %add3A_345 = arith.addi %add3A_336, %add3A_344 : vector<16xi32>
        %min3A_346 = arith.constant 2097151 : i32
        %min3A_347 = vector.broadcast %min3A_346 : i32 to vector<16xi32>
        %min3A_348 = arith.minsi %add3A_345, %min3A_347 : vector<16xi32>
        %mul3A_349 = arith.constant 16 : i32
        %mul3A_350 = arith.muli %add3A_73, %mul3A_349 : i32
        %add3A_351 = arith.constant 5888 : i32
        %add3A_352 = arith.addi %add3A_351, %mul3A_350 : i32
        %swap3A_353 = arith.index_cast %add3A_352 : i32 to index
        %swap3A_354 = tpu.vector_load %arg6[%swap3A_353] {strides = array<i32>} : memref<8192xi32, #tpu.memory_space<vmem>>, vector<16xi32>,
        tpu.vector_store %arg6[%swap3A_353], %min3A_348 {strides = array<i32>} : memref<8192xi32, #tpu.memory_space<vmem>>, vector<16xi32>,
        %add3A_355 = arith.constant 128 : i32
        %add3A_356 = vector.broadcast %add3A_355 : i32 to vector<16xi32>
        %add3A_357 = arith.addi %add3A_139, %add3A_356 : vector<16xi32>
        %add3A_358 = arith.constant 0 : i32
        %add3A_359 = vector.broadcast %add3A_358 : i32 to vector<16xi32>
        %add3A_360 = arith.addi %add3A_357, %add3A_359 : vector<16xi32>
        %shift_left3A_361 = arith.constant 6 : i32
        %shift_left3A_362 = vector.broadcast %shift_left3A_361 : i32 to vector<16xi32>
        %shift_left3A_363 = arith.shli %add3A_360, %shift_left3A_362 : vector<16xi32>
        %add3A_364 = arith.constant 0 : i32
        %add3A_365 = vector.broadcast %add3A_364 : i32 to vector<16xi32>
        %add3A_366 = arith.addi %shift_left3A_363, %add3A_365 : vector<16xi32>
        %add3A_367 = arith.addi %add3A_366, %shift_right_arithmetic3A_142 : vector<16xi32>
        %mul3A_368 = arith.constant 16 : i32
        %mul3A_369 = arith.muli %add3A_73, %mul3A_368 : i32
        %add3A_370 = arith.constant 2048 : i32
        %add3A_371 = arith.addi %add3A_370, %mul3A_369 : i32
        %swap3A_372 = arith.index_cast %add3A_371 : i32 to index
        %swap3A_373 = tpu.vector_load %arg6[%swap3A_372] {strides = array<i32>} : memref<8192xi32, #tpu.memory_space<vmem>>, vector<16xi32>,
        tpu.vector_store %arg6[%swap3A_372], %add3A_367 {strides = array<i32>} : memref<8192xi32, #tpu.memory_space<vmem>>, vector<16xi32>,
        %add3A_374 = arith.constant 1 : i32
        %add3A_375 = vector.broadcast %add3A_374 : i32 to vector<16xi32>
        %add3A_376 = arith.addi %add3A_367, %add3A_375 : vector<16xi32>
        %min3A_377 = arith.constant 2097151 : i32
        %min3A_378 = vector.broadcast %min3A_377 : i32 to vector<16xi32>
        %min3A_379 = arith.minsi %add3A_376, %min3A_378 : vector<16xi32>
        %mul3A_380 = arith.constant 16 : i32
        %mul3A_381 = arith.muli %add3A_73, %mul3A_380 : i32
        %add3A_382 = arith.constant 6144 : i32
        %add3A_383 = arith.addi %add3A_382, %mul3A_381 : i32
        %swap3A_384 = arith.index_cast %add3A_383 : i32 to index
        %swap3A_385 = tpu.vector_load %arg6[%swap3A_384] {strides = array<i32>} : memref<8192xi32, #tpu.memory_space<vmem>>, vector<16xi32>,
        tpu.vector_store %arg6[%swap3A_384], %min3A_379 {strides = array<i32>} : memref<8192xi32, #tpu.memory_space<vmem>>, vector<16xi32>,
        %shift_left3A_386 = arith.constant 6 : i32
        %shift_left3A_387 = vector.broadcast %shift_left3A_386 : i32 to vector<16xi32>
        %shift_left3A_388 = arith.shli %add3A_360, %shift_left3A_387 : vector<16xi32>
        %add3A_389 = arith.constant 16 : i32
        %add3A_390 = vector.broadcast %add3A_389 : i32 to vector<16xi32>
        %add3A_391 = arith.addi %shift_left3A_388, %add3A_390 : vector<16xi32>
        %add3A_392 = arith.addi %add3A_391, %shift_right_arithmetic3A_142 : vector<16xi32>
        %mul3A_393 = arith.constant 16 : i32
        %mul3A_394 = arith.muli %add3A_73, %mul3A_393 : i32
        %add3A_395 = arith.constant 2304 : i32
        %add3A_396 = arith.addi %add3A_395, %mul3A_394 : i32
        %swap3A_397 = arith.index_cast %add3A_396 : i32 to index
        %swap3A_398 = tpu.vector_load %arg6[%swap3A_397] {strides = array<i32>} : memref<8192xi32, #tpu.memory_space<vmem>>, vector<16xi32>,
        tpu.vector_store %arg6[%swap3A_397], %add3A_392 {strides = array<i32>} : memref<8192xi32, #tpu.memory_space<vmem>>, vector<16xi32>,
        %add3A_399 = arith.constant 1 : i32
        %add3A_400 = vector.broadcast %add3A_399 : i32 to vector<16xi32>
        %add3A_401 = arith.addi %add3A_392, %add3A_400 : vector<16xi32>
        %min3A_402 = arith.constant 2097151 : i32
        %min3A_403 = vector.broadcast %min3A_402 : i32 to vector<16xi32>
        %min3A_404 = arith.minsi %add3A_401, %min3A_403 : vector<16xi32>
        %mul3A_405 = arith.constant 16 : i32
        %mul3A_406 = arith.muli %add3A_73, %mul3A_405 : i32
        %add3A_407 = arith.constant 6400 : i32
        %add3A_408 = arith.addi %add3A_407, %mul3A_406 : i32
        %swap3A_409 = arith.index_cast %add3A_408 : i32 to index
        %swap3A_410 = tpu.vector_load %arg6[%swap3A_409] {strides = array<i32>} : memref<8192xi32, #tpu.memory_space<vmem>>, vector<16xi32>,
        tpu.vector_store %arg6[%swap3A_409], %min3A_404 {strides = array<i32>} : memref<8192xi32, #tpu.memory_space<vmem>>, vector<16xi32>,
        %shift_left3A_411 = arith.constant 6 : i32
        %shift_left3A_412 = vector.broadcast %shift_left3A_411 : i32 to vector<16xi32>
        %shift_left3A_413 = arith.shli %add3A_360, %shift_left3A_412 : vector<16xi32>
        %add3A_414 = arith.constant 32 : i32
        %add3A_415 = vector.broadcast %add3A_414 : i32 to vector<16xi32>
        %add3A_416 = arith.addi %shift_left3A_413, %add3A_415 : vector<16xi32>
        %add3A_417 = arith.addi %add3A_416, %shift_right_arithmetic3A_142 : vector<16xi32>
        %mul3A_418 = arith.constant 16 : i32
        %mul3A_419 = arith.muli %add3A_73, %mul3A_418 : i32
        %add3A_420 = arith.constant 2560 : i32
        %add3A_421 = arith.addi %add3A_420, %mul3A_419 : i32
        %swap3A_422 = arith.index_cast %add3A_421 : i32 to index
        %swap3A_423 = tpu.vector_load %arg6[%swap3A_422] {strides = array<i32>} : memref<8192xi32, #tpu.memory_space<vmem>>, vector<16xi32>,
        tpu.vector_store %arg6[%swap3A_422], %add3A_417 {strides = array<i32>} : memref<8192xi32, #tpu.memory_space<vmem>>, vector<16xi32>,
        %add3A_424 = arith.constant 1 : i32
        %add3A_425 = vector.broadcast %add3A_424 : i32 to vector<16xi32>
        %add3A_426 = arith.addi %add3A_417, %add3A_425 : vector<16xi32>
        %min3A_427 = arith.constant 2097151 : i32
        %min3A_428 = vector.broadcast %min3A_427 : i32 to vector<16xi32>
        %min3A_429 = arith.minsi %add3A_426, %min3A_428 : vector<16xi32>
        %mul3A_430 = arith.constant 16 : i32
        %mul3A_431 = arith.muli %add3A_73, %mul3A_430 : i32
        %add3A_432 = arith.constant 6656 : i32
        %add3A_433 = arith.addi %add3A_432, %mul3A_431 : i32
        %swap3A_434 = arith.index_cast %add3A_433 : i32 to index
        %swap3A_435 = tpu.vector_load %arg6[%swap3A_434] {strides = array<i32>} : memref<8192xi32, #tpu.memory_space<vmem>>, vector<16xi32>,
        tpu.vector_store %arg6[%swap3A_434], %min3A_429 {strides = array<i32>} : memref<8192xi32, #tpu.memory_space<vmem>>, vector<16xi32>,
        %shift_left3A_436 = arith.constant 6 : i32
        %shift_left3A_437 = vector.broadcast %shift_left3A_436 : i32 to vector<16xi32>
        %shift_left3A_438 = arith.shli %add3A_360, %shift_left3A_437 : vector<16xi32>
        %add3A_439 = arith.constant 48 : i32
        %add3A_440 = vector.broadcast %add3A_439 : i32 to vector<16xi32>
        %add3A_441 = arith.addi %shift_left3A_438, %add3A_440 : vector<16xi32>
        %add3A_442 = arith.addi %add3A_441, %shift_right_arithmetic3A_142 : vector<16xi32>
        %mul3A_443 = arith.constant 16 : i32
        %mul3A_444 = arith.muli %add3A_73, %mul3A_443 : i32
        %add3A_445 = arith.constant 2816 : i32
        %add3A_446 = arith.addi %add3A_445, %mul3A_444 : i32
        %swap3A_447 = arith.index_cast %add3A_446 : i32 to index
        %swap3A_448 = tpu.vector_load %arg6[%swap3A_447] {strides = array<i32>} : memref<8192xi32, #tpu.memory_space<vmem>>, vector<16xi32>,
        tpu.vector_store %arg6[%swap3A_447], %add3A_442 {strides = array<i32>} : memref<8192xi32, #tpu.memory_space<vmem>>, vector<16xi32>,
        %add3A_449 = arith.constant 1 : i32
        %add3A_450 = vector.broadcast %add3A_449 : i32 to vector<16xi32>
        %add3A_451 = arith.addi %add3A_442, %add3A_450 : vector<16xi32>
        %min3A_452 = arith.constant 2097151 : i32
        %min3A_453 = vector.broadcast %min3A_452 : i32 to vector<16xi32>
        %min3A_454 = arith.minsi %add3A_451, %min3A_453 : vector<16xi32>
        %mul3A_455 = arith.constant 16 : i32
        %mul3A_456 = arith.muli %add3A_73, %mul3A_455 : i32
        %add3A_457 = arith.constant 6912 : i32
        %add3A_458 = arith.addi %add3A_457, %mul3A_456 : i32
        %swap3A_459 = arith.index_cast %add3A_458 : i32 to index
        %swap3A_460 = tpu.vector_load %arg6[%swap3A_459] {strides = array<i32>} : memref<8192xi32, #tpu.memory_space<vmem>>, vector<16xi32>,
        tpu.vector_store %arg6[%swap3A_459], %min3A_454 {strides = array<i32>} : memref<8192xi32, #tpu.memory_space<vmem>>, vector<16xi32>,
        %add3A_461 = arith.constant 128 : i32
        %add3A_462 = vector.broadcast %add3A_461 : i32 to vector<16xi32>
        %add3A_463 = arith.addi %add3A_139, %add3A_462 : vector<16xi32>
        %add3A_464 = arith.constant 1 : i32
        %add3A_465 = vector.broadcast %add3A_464 : i32 to vector<16xi32>
        %add3A_466 = arith.addi %add3A_463, %add3A_465 : vector<16xi32>
        %shift_left3A_467 = arith.constant 6 : i32
        %shift_left3A_468 = vector.broadcast %shift_left3A_467 : i32 to vector<16xi32>
        %shift_left3A_469 = arith.shli %add3A_466, %shift_left3A_468 : vector<16xi32>
        %add3A_470 = arith.constant 0 : i32
        %add3A_471 = vector.broadcast %add3A_470 : i32 to vector<16xi32>
        %add3A_472 = arith.addi %shift_left3A_469, %add3A_471 : vector<16xi32>
        %add3A_473 = arith.addi %add3A_472, %shift_right_arithmetic3A_142 : vector<16xi32>
        %mul3A_474 = arith.constant 16 : i32
        %mul3A_475 = arith.muli %add3A_73, %mul3A_474 : i32
        %add3A_476 = arith.constant 3072 : i32
        %add3A_477 = arith.addi %add3A_476, %mul3A_475 : i32
        %swap3A_478 = arith.index_cast %add3A_477 : i32 to index
        %swap3A_479 = tpu.vector_load %arg6[%swap3A_478] {strides = array<i32>} : memref<8192xi32, #tpu.memory_space<vmem>>, vector<16xi32>,
        tpu.vector_store %arg6[%swap3A_478], %add3A_473 {strides = array<i32>} : memref<8192xi32, #tpu.memory_space<vmem>>, vector<16xi32>,
        %add3A_480 = arith.constant 1 : i32
        %add3A_481 = vector.broadcast %add3A_480 : i32 to vector<16xi32>
        %add3A_482 = arith.addi %add3A_473, %add3A_481 : vector<16xi32>
        %min3A_483 = arith.constant 2097151 : i32
        %min3A_484 = vector.broadcast %min3A_483 : i32 to vector<16xi32>
        %min3A_485 = arith.minsi %add3A_482, %min3A_484 : vector<16xi32>
        %mul3A_486 = arith.constant 16 : i32
        %mul3A_487 = arith.muli %add3A_73, %mul3A_486 : i32
        %add3A_488 = arith.constant 7168 : i32
        %add3A_489 = arith.addi %add3A_488, %mul3A_487 : i32
        %swap3A_490 = arith.index_cast %add3A_489 : i32 to index
        %swap3A_491 = tpu.vector_load %arg6[%swap3A_490] {strides = array<i32>} : memref<8192xi32, #tpu.memory_space<vmem>>, vector<16xi32>,
        tpu.vector_store %arg6[%swap3A_490], %min3A_485 {strides = array<i32>} : memref<8192xi32, #tpu.memory_space<vmem>>, vector<16xi32>,
        %shift_left3A_492 = arith.constant 6 : i32
        %shift_left3A_493 = vector.broadcast %shift_left3A_492 : i32 to vector<16xi32>
        %shift_left3A_494 = arith.shli %add3A_466, %shift_left3A_493 : vector<16xi32>
        %add3A_495 = arith.constant 16 : i32
        %add3A_496 = vector.broadcast %add3A_495 : i32 to vector<16xi32>
        %add3A_497 = arith.addi %shift_left3A_494, %add3A_496 : vector<16xi32>
        %add3A_498 = arith.addi %add3A_497, %shift_right_arithmetic3A_142 : vector<16xi32>
        %mul3A_499 = arith.constant 16 : i32
        %mul3A_500 = arith.muli %add3A_73, %mul3A_499 : i32
        %add3A_501 = arith.constant 3328 : i32
        %add3A_502 = arith.addi %add3A_501, %mul3A_500 : i32
        %swap3A_503 = arith.index_cast %add3A_502 : i32 to index
        %swap3A_504 = tpu.vector_load %arg6[%swap3A_503] {strides = array<i32>} : memref<8192xi32, #tpu.memory_space<vmem>>, vector<16xi32>,
        tpu.vector_store %arg6[%swap3A_503], %add3A_498 {strides = array<i32>} : memref<8192xi32, #tpu.memory_space<vmem>>, vector<16xi32>,
        %add3A_505 = arith.constant 1 : i32
        %add3A_506 = vector.broadcast %add3A_505 : i32 to vector<16xi32>
        %add3A_507 = arith.addi %add3A_498, %add3A_506 : vector<16xi32>
        %min3A_508 = arith.constant 2097151 : i32
        %min3A_509 = vector.broadcast %min3A_508 : i32 to vector<16xi32>
        %min3A_510 = arith.minsi %add3A_507, %min3A_509 : vector<16xi32>
        %mul3A_511 = arith.constant 16 : i32
        %mul3A_512 = arith.muli %add3A_73, %mul3A_511 : i32
        %add3A_513 = arith.constant 7424 : i32
        %add3A_514 = arith.addi %add3A_513, %mul3A_512 : i32
        %swap3A_515 = arith.index_cast %add3A_514 : i32 to index
        %swap3A_516 = tpu.vector_load %arg6[%swap3A_515] {strides = array<i32>} : memref<8192xi32, #tpu.memory_space<vmem>>, vector<16xi32>,
        tpu.vector_store %arg6[%swap3A_515], %min3A_510 {strides = array<i32>} : memref<8192xi32, #tpu.memory_space<vmem>>, vector<16xi32>,
        %shift_left3A_517 = arith.constant 6 : i32
        %shift_left3A_518 = vector.broadcast %shift_left3A_517 : i32 to vector<16xi32>
        %shift_left3A_519 = arith.shli %add3A_466, %shift_left3A_518 : vector<16xi32>
        %add3A_520 = arith.constant 32 : i32
        %add3A_521 = vector.broadcast %add3A_520 : i32 to vector<16xi32>
        %add3A_522 = arith.addi %shift_left3A_519, %add3A_521 : vector<16xi32>
        %add3A_523 = arith.addi %add3A_522, %shift_right_arithmetic3A_142 : vector<16xi32>
        %mul3A_524 = arith.constant 16 : i32
        %mul3A_525 = arith.muli %add3A_73, %mul3A_524 : i32
        %add3A_526 = arith.constant 3584 : i32
        %add3A_527 = arith.addi %add3A_526, %mul3A_525 : i32
        %swap3A_528 = arith.index_cast %add3A_527 : i32 to index
        %swap3A_529 = tpu.vector_load %arg6[%swap3A_528] {strides = array<i32>} : memref<8192xi32, #tpu.memory_space<vmem>>, vector<16xi32>,
        tpu.vector_store %arg6[%swap3A_528], %add3A_523 {strides = array<i32>} : memref<8192xi32, #tpu.memory_space<vmem>>, vector<16xi32>,
        %add3A_530 = arith.constant 1 : i32
        %add3A_531 = vector.broadcast %add3A_530 : i32 to vector<16xi32>
        %add3A_532 = arith.addi %add3A_523, %add3A_531 : vector<16xi32>
        %min3A_533 = arith.constant 2097151 : i32
        %min3A_534 = vector.broadcast %min3A_533 : i32 to vector<16xi32>
        %min3A_535 = arith.minsi %add3A_532, %min3A_534 : vector<16xi32>
        %mul3A_536 = arith.constant 16 : i32
        %mul3A_537 = arith.muli %add3A_73, %mul3A_536 : i32
        %add3A_538 = arith.constant 7680 : i32
        %add3A_539 = arith.addi %add3A_538, %mul3A_537 : i32
        %swap3A_540 = arith.index_cast %add3A_539 : i32 to index
        %swap3A_541 = tpu.vector_load %arg6[%swap3A_540] {strides = array<i32>} : memref<8192xi32, #tpu.memory_space<vmem>>, vector<16xi32>,
        tpu.vector_store %arg6[%swap3A_540], %min3A_535 {strides = array<i32>} : memref<8192xi32, #tpu.memory_space<vmem>>, vector<16xi32>,
        %shift_left3A_542 = arith.constant 6 : i32
        %shift_left3A_543 = vector.broadcast %shift_left3A_542 : i32 to vector<16xi32>
        %shift_left3A_544 = arith.shli %add3A_466, %shift_left3A_543 : vector<16xi32>
        %add3A_545 = arith.constant 48 : i32
        %add3A_546 = vector.broadcast %add3A_545 : i32 to vector<16xi32>
        %add3A_547 = arith.addi %shift_left3A_544, %add3A_546 : vector<16xi32>
        %add3A_548 = arith.addi %add3A_547, %shift_right_arithmetic3A_142 : vector<16xi32>
        %mul3A_549 = arith.constant 16 : i32
        %mul3A_550 = arith.muli %add3A_73, %mul3A_549 : i32
        %add3A_551 = arith.constant 3840 : i32
        %add3A_552 = arith.addi %add3A_551, %mul3A_550 : i32
        %swap3A_553 = arith.index_cast %add3A_552 : i32 to index
        %swap3A_554 = tpu.vector_load %arg6[%swap3A_553] {strides = array<i32>} : memref<8192xi32, #tpu.memory_space<vmem>>, vector<16xi32>,
        tpu.vector_store %arg6[%swap3A_553], %add3A_548 {strides = array<i32>} : memref<8192xi32, #tpu.memory_space<vmem>>, vector<16xi32>,
        %add3A_555 = arith.constant 1 : i32
        %add3A_556 = vector.broadcast %add3A_555 : i32 to vector<16xi32>
        %add3A_557 = arith.addi %add3A_548, %add3A_556 : vector<16xi32>
        %min3A_558 = arith.constant 2097151 : i32
        %min3A_559 = vector.broadcast %min3A_558 : i32 to vector<16xi32>
        %min3A_560 = arith.minsi %add3A_557, %min3A_559 : vector<16xi32>
        %mul3A_561 = arith.constant 16 : i32
        %mul3A_562 = arith.muli %add3A_73, %mul3A_561 : i32
        %add3A_563 = arith.constant 7936 : i32
        %add3A_564 = arith.addi %add3A_563, %mul3A_562 : i32
        %swap3A_565 = arith.index_cast %add3A_564 : i32 to index
        %swap3A_566 = tpu.vector_load %arg6[%swap3A_565] {strides = array<i32>} : memref<8192xi32, #tpu.memory_space<vmem>>, vector<16xi32>,
        tpu.vector_store %arg6[%swap3A_565], %min3A_560 {strides = array<i32>} : memref<8192xi32, #tpu.memory_space<vmem>>, vector<16xi32>,
      }
      %scan3A_57 = arith.constant 16 : i32
      %dma_start3A = arith.constant 0 : i32
      %dma_start3A_58 = arith.constant 0 : i32
      %dma_start3A_59 = tpu.memref_slice %arg2[%dma_start3A, %dma_start3A_58] : memref<2097152x8xf32, #tpu.memory_space<hbm>> -> memref<2097152x8xf32, #tpu.memory_space<hbm>>
      tpu.enqueue_indirect_dma source(%dma_start3A_59 : memref<2097152x8xf32, #tpu.memory_space<hbm>>) target(%arg9 : memref<8192x8xf32, #tpu.memory_space<vmem>>) offsets(%arg6 : memref<8192xi32, #tpu.memory_space<vmem>>) semaphore(%arg11 : memref<!tpu.dma_semaphore, #tpu.memory_space<semaphore_mem>>)
      %dma_wait3A = arith.constant 0 : i32
      %dma_wait3A_60 = arith.constant 0 : i32
      %dma_wait3A_61 = tpu.memref_slice %arg2[%dma_wait3A, %dma_wait3A_60] : memref<2097152x8xf32, #tpu.memory_space<hbm>> -> memref<2097152x8xf32, #tpu.memory_space<hbm>>
      tpu.wait_indirect_dma semaphore(%arg11 : memref<!tpu.dma_semaphore, #tpu.memory_space<semaphore_mem>>) src(%dma_wait3A_61 : memref<2097152x8xf32, #tpu.memory_space<hbm>>) dst(%arg9 : memref<8192x8xf32, #tpu.memory_space<vmem>>)
      %scan3A_62 = arith.constant 0 : i32
      %scan3A_63 = arith.constant 16 : i32
      %scan3A_64 = arith.addi %scan3A_62, %scan3A_63 : i32
      %scan3A_65 = arith.constant 1 : i32
      scf.for %scan3A_69 = %scan3A_62 to %scan3A_64 step %scan3A_65  : i32 {
        %mul3A_70 = arith.constant 1 : i32
        %mul3A_71 = arith.muli %scan3A_69, %mul3A_70 : i32
        %add3A_72 = arith.constant 0 : i32
        %add3A_73 = arith.addi %add3A_72, %mul3A_71 : i32
        %mul3A_74 = arith.constant 16 : i32
        %mul3A_75 = arith.muli %add3A_73, %mul3A_74 : i32
        %add3A_76 = vector.broadcast %mul3A_75 : i32 to vector<16xi32>
        %add3A_77 = arith.addi %iota3A, %add3A_76 : vector<16xi32>
        %mul3A_78 = arith.constant 16 : i32
        %mul3A_79 = arith.muli %add3A_73, %mul3A_78 : i32
        %get3A = arith.index_cast %mul3A_79 : i32 to index
        %get3A_80 = tpu.vector_load %arg7[%get3A] {strides = array<i32>} : memref<768xf32, #tpu.memory_space<vmem>>, vector<16xf32>,
        %mul3A_81 = arith.constant 16 : i32
        %mul3A_82 = arith.muli %add3A_73, %mul3A_81 : i32
        %add3A_83 = arith.constant 256 : i32
        %add3A_84 = arith.addi %add3A_83, %mul3A_82 : i32
        %get3A_85 = arith.index_cast %add3A_84 : i32 to index
        %get3A_86 = tpu.vector_load %arg7[%get3A_85] {strides = array<i32>} : memref<768xf32, #tpu.memory_space<vmem>>, vector<16xf32>,
        %mul3A_87 = arith.constant 16 : i32
        %mul3A_88 = arith.muli %add3A_73, %mul3A_87 : i32
        %add3A_89 = arith.constant 512 : i32
        %add3A_90 = arith.addi %add3A_89, %mul3A_88 : i32
        %get3A_91 = arith.index_cast %add3A_90 : i32 to index
        %get3A_92 = tpu.vector_load %arg7[%get3A_91] {strides = array<i32>} : memref<768xf32, #tpu.memory_space<vmem>>, vector<16xf32>,
        %mul3A_93 = arith.constant 16 : i32
        %mul3A_94 = arith.muli %add3A_73, %mul3A_93 : i32
        %get3A_95 = arith.index_cast %mul3A_94 : i32 to index
        %get3A_96 = tpu.vector_load %arg8[%get3A_95] {strides = array<i32>} : memref<256xi32, #tpu.memory_space<vmem>>, vector<16xi32>,
        %sub3A_97 = arith.constant 1.000000e+00 : f32
        %sub3A_98 = vector.broadcast %sub3A_97 : f32 to vector<16xf32>
        %sub3A_99 = arith.subf %sub3A_98, %get3A_80 : vector<16xf32>
        %sub3A_100 = arith.constant 1.000000e+00 : f32
        %sub3A_101 = vector.broadcast %sub3A_100 : f32 to vector<16xf32>
        %sub3A_102 = arith.subf %sub3A_101, %get3A_86 : vector<16xf32>
        %mul3A_103 = arith.mulf %sub3A_99, %sub3A_102 : vector<16xf32>
        %mul3A_104 = arith.mulf %sub3A_99, %get3A_86 : vector<16xf32>
        %mul3A_105 = arith.mulf %get3A_80, %sub3A_102 : vector<16xf32>
        %mul3A_106 = arith.mulf %get3A_80, %get3A_86 : vector<16xf32>
        %add3A_107 = arith.constant 1 : i32
        %add3A_108 = vector.broadcast %add3A_107 : i32 to vector<16xi32>
        %add3A_109 = arith.addi %get3A_96, %add3A_108 : vector<16xi32>
        %and3A_110 = arith.constant 7 : i32
        %and3A_111 = vector.broadcast %and3A_110 : i32 to vector<16xi32>
        %and3A_112 = arith.andi %add3A_109, %and3A_111 : vector<16xi32>
        %add3A_113 = arith.constant 1 : i32
        %add3A_114 = vector.broadcast %add3A_113 : i32 to vector<16xi32>
        %add3A_115 = arith.addi %get3A_96, %add3A_114 : vector<16xi32>
        %shift_right_arithmetic3A_116 = arith.constant 3 : i32
        %shift_right_arithmetic3A_117 = vector.broadcast %shift_right_arithmetic3A_116 : i32 to vector<16xi32>
        %shift_right_arithmetic3A_118 = arith.shrsi %add3A_115, %shift_right_arithmetic3A_117 : vector<16xi32>
        %shift_left3A = arith.constant 4 : i32
        %shift_left3A_119 = vector.broadcast %shift_left3A : i32 to vector<16xi32>
        %shift_left3A_120 = arith.shli %shift_right_arithmetic3A_118, %shift_left3A_119 : vector<16xi32>
        %mul3A_121 = arith.constant 256 : i32
        %mul3A_122 = vector.broadcast %mul3A_121 : i32 to vector<16xi32>
        %mul3A_123 = arith.muli %shift_left3A_120, %mul3A_122 : vector<16xi32>
        %add3A_124 = arith.addi %add3A_77, %mul3A_123 : vector<16xi32>
        %broadcast_in_dim3A = arith.constant 0.000000e+00 : f32
        %broadcast_in_dim3A_125 = vector.broadcast %broadcast_in_dim3A : f32 to vector<16xf32>
        %broadcast_in_dim3A_126 = arith.constant 0.000000e+00 : f32
        %broadcast_in_dim3A_127 = vector.broadcast %broadcast_in_dim3A_126 : f32 to vector<16xf32>
        %broadcast_in_dim3A_128 = arith.constant 0.000000e+00 : f32
        %broadcast_in_dim3A_129 = vector.broadcast %broadcast_in_dim3A_128 : f32 to vector<16xf32>
        %broadcast_in_dim3A_130 = arith.constant 0.000000e+00 : f32
        %broadcast_in_dim3A_131 = vector.broadcast %broadcast_in_dim3A_130 : f32 to vector<16xf32>
        %add3A_132 = arith.constant 0 : i32
        %add3A_133 = vector.broadcast %add3A_132 : i32 to vector<16xi32>
        %add3A_134 = arith.addi %add3A_77, %add3A_133 : vector<16xi32>
        %gather3A = tpu.vector_load_idx %arg9[%add3A_134, %get3A_96] : memref<8192x8xf32, #tpu.memory_space<vmem>>[vector<16xi32>, vector<16xi32>], vector<16xf32>,
        %add3A_135 = arith.constant 0 : i32
        %add3A_136 = vector.broadcast %add3A_135 : i32 to vector<16xi32>
        %add3A_137 = arith.addi %add3A_124, %add3A_136 : vector<16xi32>
        %gather3A_138 = tpu.vector_load_idx %arg9[%add3A_137, %and3A_112] : memref<8192x8xf32, #tpu.memory_space<vmem>>[vector<16xi32>, vector<16xi32>], vector<16xf32>,
        %sub3A_139 = arith.subf %gather3A_138, %gather3A : vector<16xf32>
        %mul3A_140 = arith.mulf %get3A_92, %sub3A_139 : vector<16xf32>
        %add3A_141 = arith.addf %gather3A, %mul3A_140 : vector<16xf32>
        %mul3A_142 = arith.mulf %mul3A_103, %add3A_141 : vector<16xf32>
        %add3A_143 = arith.addf %broadcast_in_dim3A_125, %mul3A_142 : vector<16xf32>
        %add3A_144 = arith.constant 256 : i32
        %add3A_145 = vector.broadcast %add3A_144 : i32 to vector<16xi32>
        %add3A_146 = arith.addi %add3A_77, %add3A_145 : vector<16xi32>
        %gather3A_147 = tpu.vector_load_idx %arg9[%add3A_146, %get3A_96] : memref<8192x8xf32, #tpu.memory_space<vmem>>[vector<16xi32>, vector<16xi32>], vector<16xf32>,
        %add3A_148 = arith.constant 256 : i32
        %add3A_149 = vector.broadcast %add3A_148 : i32 to vector<16xi32>
        %add3A_150 = arith.addi %add3A_124, %add3A_149 : vector<16xi32>
        %gather3A_151 = tpu.vector_load_idx %arg9[%add3A_150, %and3A_112] : memref<8192x8xf32, #tpu.memory_space<vmem>>[vector<16xi32>, vector<16xi32>], vector<16xf32>,
        %sub3A_152 = arith.subf %gather3A_151, %gather3A_147 : vector<16xf32>
        %mul3A_153 = arith.mulf %get3A_92, %sub3A_152 : vector<16xf32>
        %add3A_154 = arith.addf %gather3A_147, %mul3A_153 : vector<16xf32>
        %mul3A_155 = arith.mulf %mul3A_103, %add3A_154 : vector<16xf32>
        %add3A_156 = arith.addf %broadcast_in_dim3A_127, %mul3A_155 : vector<16xf32>
        %add3A_157 = arith.constant 512 : i32
        %add3A_158 = vector.broadcast %add3A_157 : i32 to vector<16xi32>
        %add3A_159 = arith.addi %add3A_77, %add3A_158 : vector<16xi32>
        %gather3A_160 = tpu.vector_load_idx %arg9[%add3A_159, %get3A_96] : memref<8192x8xf32, #tpu.memory_space<vmem>>[vector<16xi32>, vector<16xi32>], vector<16xf32>,
        %add3A_161 = arith.constant 512 : i32
        %add3A_162 = vector.broadcast %add3A_161 : i32 to vector<16xi32>
        %add3A_163 = arith.addi %add3A_124, %add3A_162 : vector<16xi32>
        %gather3A_164 = tpu.vector_load_idx %arg9[%add3A_163, %and3A_112] : memref<8192x8xf32, #tpu.memory_space<vmem>>[vector<16xi32>, vector<16xi32>], vector<16xf32>,
        %sub3A_165 = arith.subf %gather3A_164, %gather3A_160 : vector<16xf32>
        %mul3A_166 = arith.mulf %get3A_92, %sub3A_165 : vector<16xf32>
        %add3A_167 = arith.addf %gather3A_160, %mul3A_166 : vector<16xf32>
        %mul3A_168 = arith.mulf %mul3A_103, %add3A_167 : vector<16xf32>
        %add3A_169 = arith.addf %broadcast_in_dim3A_129, %mul3A_168 : vector<16xf32>
        %add3A_170 = arith.constant 768 : i32
        %add3A_171 = vector.broadcast %add3A_170 : i32 to vector<16xi32>
        %add3A_172 = arith.addi %add3A_77, %add3A_171 : vector<16xi32>
        %gather3A_173 = tpu.vector_load_idx %arg9[%add3A_172, %get3A_96] : memref<8192x8xf32, #tpu.memory_space<vmem>>[vector<16xi32>, vector<16xi32>], vector<16xf32>,
        %add3A_174 = arith.constant 768 : i32
        %add3A_175 = vector.broadcast %add3A_174 : i32 to vector<16xi32>
        %add3A_176 = arith.addi %add3A_124, %add3A_175 : vector<16xi32>
        %gather3A_177 = tpu.vector_load_idx %arg9[%add3A_176, %and3A_112] : memref<8192x8xf32, #tpu.memory_space<vmem>>[vector<16xi32>, vector<16xi32>], vector<16xf32>,
        %sub3A_178 = arith.subf %gather3A_177, %gather3A_173 : vector<16xf32>
        %mul3A_179 = arith.mulf %get3A_92, %sub3A_178 : vector<16xf32>
        %add3A_180 = arith.addf %gather3A_173, %mul3A_179 : vector<16xf32>
        %mul3A_181 = arith.mulf %mul3A_103, %add3A_180 : vector<16xf32>
        %add3A_182 = arith.addf %broadcast_in_dim3A_131, %mul3A_181 : vector<16xf32>
        %add3A_183 = arith.constant 1024 : i32
        %add3A_184 = vector.broadcast %add3A_183 : i32 to vector<16xi32>
        %add3A_185 = arith.addi %add3A_77, %add3A_184 : vector<16xi32>
        %gather3A_186 = tpu.vector_load_idx %arg9[%add3A_185, %get3A_96] : memref<8192x8xf32, #tpu.memory_space<vmem>>[vector<16xi32>, vector<16xi32>], vector<16xf32>,
        %add3A_187 = arith.constant 1024 : i32
        %add3A_188 = vector.broadcast %add3A_187 : i32 to vector<16xi32>
        %add3A_189 = arith.addi %add3A_124, %add3A_188 : vector<16xi32>
        %gather3A_190 = tpu.vector_load_idx %arg9[%add3A_189, %and3A_112] : memref<8192x8xf32, #tpu.memory_space<vmem>>[vector<16xi32>, vector<16xi32>], vector<16xf32>,
        %sub3A_191 = arith.subf %gather3A_190, %gather3A_186 : vector<16xf32>
        %mul3A_192 = arith.mulf %get3A_92, %sub3A_191 : vector<16xf32>
        %add3A_193 = arith.addf %gather3A_186, %mul3A_192 : vector<16xf32>
        %mul3A_194 = arith.mulf %mul3A_104, %add3A_193 : vector<16xf32>
        %add3A_195 = arith.addf %add3A_143, %mul3A_194 : vector<16xf32>
        %add3A_196 = arith.constant 1280 : i32
        %add3A_197 = vector.broadcast %add3A_196 : i32 to vector<16xi32>
        %add3A_198 = arith.addi %add3A_77, %add3A_197 : vector<16xi32>
        %gather3A_199 = tpu.vector_load_idx %arg9[%add3A_198, %get3A_96] : memref<8192x8xf32, #tpu.memory_space<vmem>>[vector<16xi32>, vector<16xi32>], vector<16xf32>,
        %add3A_200 = arith.constant 1280 : i32
        %add3A_201 = vector.broadcast %add3A_200 : i32 to vector<16xi32>
        %add3A_202 = arith.addi %add3A_124, %add3A_201 : vector<16xi32>
        %gather3A_203 = tpu.vector_load_idx %arg9[%add3A_202, %and3A_112] : memref<8192x8xf32, #tpu.memory_space<vmem>>[vector<16xi32>, vector<16xi32>], vector<16xf32>,
        %sub3A_204 = arith.subf %gather3A_203, %gather3A_199 : vector<16xf32>
        %mul3A_205 = arith.mulf %get3A_92, %sub3A_204 : vector<16xf32>
        %add3A_206 = arith.addf %gather3A_199, %mul3A_205 : vector<16xf32>
        %mul3A_207 = arith.mulf %mul3A_104, %add3A_206 : vector<16xf32>
        %add3A_208 = arith.addf %add3A_156, %mul3A_207 : vector<16xf32>
        %add3A_209 = arith.constant 1536 : i32
        %add3A_210 = vector.broadcast %add3A_209 : i32 to vector<16xi32>
        %add3A_211 = arith.addi %add3A_77, %add3A_210 : vector<16xi32>
        %gather3A_212 = tpu.vector_load_idx %arg9[%add3A_211, %get3A_96] : memref<8192x8xf32, #tpu.memory_space<vmem>>[vector<16xi32>, vector<16xi32>], vector<16xf32>,
        %add3A_213 = arith.constant 1536 : i32
        %add3A_214 = vector.broadcast %add3A_213 : i32 to vector<16xi32>
        %add3A_215 = arith.addi %add3A_124, %add3A_214 : vector<16xi32>
        %gather3A_216 = tpu.vector_load_idx %arg9[%add3A_215, %and3A_112] : memref<8192x8xf32, #tpu.memory_space<vmem>>[vector<16xi32>, vector<16xi32>], vector<16xf32>,
        %sub3A_217 = arith.subf %gather3A_216, %gather3A_212 : vector<16xf32>
        %mul3A_218 = arith.mulf %get3A_92, %sub3A_217 : vector<16xf32>
        %add3A_219 = arith.addf %gather3A_212, %mul3A_218 : vector<16xf32>
        %mul3A_220 = arith.mulf %mul3A_104, %add3A_219 : vector<16xf32>
        %add3A_221 = arith.addf %add3A_169, %mul3A_220 : vector<16xf32>
        %add3A_222 = arith.constant 1792 : i32
        %add3A_223 = vector.broadcast %add3A_222 : i32 to vector<16xi32>
        %add3A_224 = arith.addi %add3A_77, %add3A_223 : vector<16xi32>
        %gather3A_225 = tpu.vector_load_idx %arg9[%add3A_224, %get3A_96] : memref<8192x8xf32, #tpu.memory_space<vmem>>[vector<16xi32>, vector<16xi32>], vector<16xf32>,
        %add3A_226 = arith.constant 1792 : i32
        %add3A_227 = vector.broadcast %add3A_226 : i32 to vector<16xi32>
        %add3A_228 = arith.addi %add3A_124, %add3A_227 : vector<16xi32>
        %gather3A_229 = tpu.vector_load_idx %arg9[%add3A_228, %and3A_112] : memref<8192x8xf32, #tpu.memory_space<vmem>>[vector<16xi32>, vector<16xi32>], vector<16xf32>,
        %sub3A_230 = arith.subf %gather3A_229, %gather3A_225 : vector<16xf32>
        %mul3A_231 = arith.mulf %get3A_92, %sub3A_230 : vector<16xf32>
        %add3A_232 = arith.addf %gather3A_225, %mul3A_231 : vector<16xf32>
        %mul3A_233 = arith.mulf %mul3A_104, %add3A_232 : vector<16xf32>
        %add3A_234 = arith.addf %add3A_182, %mul3A_233 : vector<16xf32>
        %add3A_235 = arith.constant 2048 : i32
        %add3A_236 = vector.broadcast %add3A_235 : i32 to vector<16xi32>
        %add3A_237 = arith.addi %add3A_77, %add3A_236 : vector<16xi32>
        %gather3A_238 = tpu.vector_load_idx %arg9[%add3A_237, %get3A_96] : memref<8192x8xf32, #tpu.memory_space<vmem>>[vector<16xi32>, vector<16xi32>], vector<16xf32>,
        %add3A_239 = arith.constant 2048 : i32
        %add3A_240 = vector.broadcast %add3A_239 : i32 to vector<16xi32>
        %add3A_241 = arith.addi %add3A_124, %add3A_240 : vector<16xi32>
        %gather3A_242 = tpu.vector_load_idx %arg9[%add3A_241, %and3A_112] : memref<8192x8xf32, #tpu.memory_space<vmem>>[vector<16xi32>, vector<16xi32>], vector<16xf32>,
        %sub3A_243 = arith.subf %gather3A_242, %gather3A_238 : vector<16xf32>
        %mul3A_244 = arith.mulf %get3A_92, %sub3A_243 : vector<16xf32>
        %add3A_245 = arith.addf %gather3A_238, %mul3A_244 : vector<16xf32>
        %mul3A_246 = arith.mulf %mul3A_105, %add3A_245 : vector<16xf32>
        %add3A_247 = arith.addf %add3A_195, %mul3A_246 : vector<16xf32>
        %add3A_248 = arith.constant 2304 : i32
        %add3A_249 = vector.broadcast %add3A_248 : i32 to vector<16xi32>
        %add3A_250 = arith.addi %add3A_77, %add3A_249 : vector<16xi32>
        %gather3A_251 = tpu.vector_load_idx %arg9[%add3A_250, %get3A_96] : memref<8192x8xf32, #tpu.memory_space<vmem>>[vector<16xi32>, vector<16xi32>], vector<16xf32>,
        %add3A_252 = arith.constant 2304 : i32
        %add3A_253 = vector.broadcast %add3A_252 : i32 to vector<16xi32>
        %add3A_254 = arith.addi %add3A_124, %add3A_253 : vector<16xi32>
        %gather3A_255 = tpu.vector_load_idx %arg9[%add3A_254, %and3A_112] : memref<8192x8xf32, #tpu.memory_space<vmem>>[vector<16xi32>, vector<16xi32>], vector<16xf32>,
        %sub3A_256 = arith.subf %gather3A_255, %gather3A_251 : vector<16xf32>
        %mul3A_257 = arith.mulf %get3A_92, %sub3A_256 : vector<16xf32>
        %add3A_258 = arith.addf %gather3A_251, %mul3A_257 : vector<16xf32>
        %mul3A_259 = arith.mulf %mul3A_105, %add3A_258 : vector<16xf32>
        %add3A_260 = arith.addf %add3A_208, %mul3A_259 : vector<16xf32>
        %add3A_261 = arith.constant 2560 : i32
        %add3A_262 = vector.broadcast %add3A_261 : i32 to vector<16xi32>
        %add3A_263 = arith.addi %add3A_77, %add3A_262 : vector<16xi32>
        %gather3A_264 = tpu.vector_load_idx %arg9[%add3A_263, %get3A_96] : memref<8192x8xf32, #tpu.memory_space<vmem>>[vector<16xi32>, vector<16xi32>], vector<16xf32>,
        %add3A_265 = arith.constant 2560 : i32
        %add3A_266 = vector.broadcast %add3A_265 : i32 to vector<16xi32>
        %add3A_267 = arith.addi %add3A_124, %add3A_266 : vector<16xi32>
        %gather3A_268 = tpu.vector_load_idx %arg9[%add3A_267, %and3A_112] : memref<8192x8xf32, #tpu.memory_space<vmem>>[vector<16xi32>, vector<16xi32>], vector<16xf32>,
        %sub3A_269 = arith.subf %gather3A_268, %gather3A_264 : vector<16xf32>
        %mul3A_270 = arith.mulf %get3A_92, %sub3A_269 : vector<16xf32>
        %add3A_271 = arith.addf %gather3A_264, %mul3A_270 : vector<16xf32>
        %mul3A_272 = arith.mulf %mul3A_105, %add3A_271 : vector<16xf32>
        %add3A_273 = arith.addf %add3A_221, %mul3A_272 : vector<16xf32>
        %add3A_274 = arith.constant 2816 : i32
        %add3A_275 = vector.broadcast %add3A_274 : i32 to vector<16xi32>
        %add3A_276 = arith.addi %add3A_77, %add3A_275 : vector<16xi32>
        %gather3A_277 = tpu.vector_load_idx %arg9[%add3A_276, %get3A_96] : memref<8192x8xf32, #tpu.memory_space<vmem>>[vector<16xi32>, vector<16xi32>], vector<16xf32>,
        %add3A_278 = arith.constant 2816 : i32
        %add3A_279 = vector.broadcast %add3A_278 : i32 to vector<16xi32>
        %add3A_280 = arith.addi %add3A_124, %add3A_279 : vector<16xi32>
        %gather3A_281 = tpu.vector_load_idx %arg9[%add3A_280, %and3A_112] : memref<8192x8xf32, #tpu.memory_space<vmem>>[vector<16xi32>, vector<16xi32>], vector<16xf32>,
        %sub3A_282 = arith.subf %gather3A_281, %gather3A_277 : vector<16xf32>
        %mul3A_283 = arith.mulf %get3A_92, %sub3A_282 : vector<16xf32>
        %add3A_284 = arith.addf %gather3A_277, %mul3A_283 : vector<16xf32>
        %mul3A_285 = arith.mulf %mul3A_105, %add3A_284 : vector<16xf32>
        %add3A_286 = arith.addf %add3A_234, %mul3A_285 : vector<16xf32>
        %add3A_287 = arith.constant 3072 : i32
        %add3A_288 = vector.broadcast %add3A_287 : i32 to vector<16xi32>
        %add3A_289 = arith.addi %add3A_77, %add3A_288 : vector<16xi32>
        %gather3A_290 = tpu.vector_load_idx %arg9[%add3A_289, %get3A_96] : memref<8192x8xf32, #tpu.memory_space<vmem>>[vector<16xi32>, vector<16xi32>], vector<16xf32>,
        %add3A_291 = arith.constant 3072 : i32
        %add3A_292 = vector.broadcast %add3A_291 : i32 to vector<16xi32>
        %add3A_293 = arith.addi %add3A_124, %add3A_292 : vector<16xi32>
        %gather3A_294 = tpu.vector_load_idx %arg9[%add3A_293, %and3A_112] : memref<8192x8xf32, #tpu.memory_space<vmem>>[vector<16xi32>, vector<16xi32>], vector<16xf32>,
        %sub3A_295 = arith.subf %gather3A_294, %gather3A_290 : vector<16xf32>
        %mul3A_296 = arith.mulf %get3A_92, %sub3A_295 : vector<16xf32>
        %add3A_297 = arith.addf %gather3A_290, %mul3A_296 : vector<16xf32>
        %mul3A_298 = arith.mulf %mul3A_106, %add3A_297 : vector<16xf32>
        %add3A_299 = arith.addf %add3A_247, %mul3A_298 : vector<16xf32>
        %add3A_300 = arith.constant 3328 : i32
        %add3A_301 = vector.broadcast %add3A_300 : i32 to vector<16xi32>
        %add3A_302 = arith.addi %add3A_77, %add3A_301 : vector<16xi32>
        %gather3A_303 = tpu.vector_load_idx %arg9[%add3A_302, %get3A_96] : memref<8192x8xf32, #tpu.memory_space<vmem>>[vector<16xi32>, vector<16xi32>], vector<16xf32>,
        %add3A_304 = arith.constant 3328 : i32
        %add3A_305 = vector.broadcast %add3A_304 : i32 to vector<16xi32>
        %add3A_306 = arith.addi %add3A_124, %add3A_305 : vector<16xi32>
        %gather3A_307 = tpu.vector_load_idx %arg9[%add3A_306, %and3A_112] : memref<8192x8xf32, #tpu.memory_space<vmem>>[vector<16xi32>, vector<16xi32>], vector<16xf32>,
        %sub3A_308 = arith.subf %gather3A_307, %gather3A_303 : vector<16xf32>
        %mul3A_309 = arith.mulf %get3A_92, %sub3A_308 : vector<16xf32>
        %add3A_310 = arith.addf %gather3A_303, %mul3A_309 : vector<16xf32>
        %mul3A_311 = arith.mulf %mul3A_106, %add3A_310 : vector<16xf32>
        %add3A_312 = arith.addf %add3A_260, %mul3A_311 : vector<16xf32>
        %add3A_313 = arith.constant 3584 : i32
        %add3A_314 = vector.broadcast %add3A_313 : i32 to vector<16xi32>
        %add3A_315 = arith.addi %add3A_77, %add3A_314 : vector<16xi32>
        %gather3A_316 = tpu.vector_load_idx %arg9[%add3A_315, %get3A_96] : memref<8192x8xf32, #tpu.memory_space<vmem>>[vector<16xi32>, vector<16xi32>], vector<16xf32>,
        %add3A_317 = arith.constant 3584 : i32
        %add3A_318 = vector.broadcast %add3A_317 : i32 to vector<16xi32>
        %add3A_319 = arith.addi %add3A_124, %add3A_318 : vector<16xi32>
        %gather3A_320 = tpu.vector_load_idx %arg9[%add3A_319, %and3A_112] : memref<8192x8xf32, #tpu.memory_space<vmem>>[vector<16xi32>, vector<16xi32>], vector<16xf32>,
        %sub3A_321 = arith.subf %gather3A_320, %gather3A_316 : vector<16xf32>
        %mul3A_322 = arith.mulf %get3A_92, %sub3A_321 : vector<16xf32>
        %add3A_323 = arith.addf %gather3A_316, %mul3A_322 : vector<16xf32>
        %mul3A_324 = arith.mulf %mul3A_106, %add3A_323 : vector<16xf32>
        %add3A_325 = arith.addf %add3A_273, %mul3A_324 : vector<16xf32>
        %add3A_326 = arith.constant 3840 : i32
        %add3A_327 = vector.broadcast %add3A_326 : i32 to vector<16xi32>
        %add3A_328 = arith.addi %add3A_77, %add3A_327 : vector<16xi32>
        %gather3A_329 = tpu.vector_load_idx %arg9[%add3A_328, %get3A_96] : memref<8192x8xf32, #tpu.memory_space<vmem>>[vector<16xi32>, vector<16xi32>], vector<16xf32>,
        %add3A_330 = arith.constant 3840 : i32
        %add3A_331 = vector.broadcast %add3A_330 : i32 to vector<16xi32>
        %add3A_332 = arith.addi %add3A_124, %add3A_331 : vector<16xi32>
        %gather3A_333 = tpu.vector_load_idx %arg9[%add3A_332, %and3A_112] : memref<8192x8xf32, #tpu.memory_space<vmem>>[vector<16xi32>, vector<16xi32>], vector<16xf32>,
        %sub3A_334 = arith.subf %gather3A_333, %gather3A_329 : vector<16xf32>
        %mul3A_335 = arith.mulf %get3A_92, %sub3A_334 : vector<16xf32>
        %add3A_336 = arith.addf %gather3A_329, %mul3A_335 : vector<16xf32>
        %mul3A_337 = arith.mulf %mul3A_106, %add3A_336 : vector<16xf32>
        %add3A_338 = arith.addf %add3A_286, %mul3A_337 : vector<16xf32>
        %shift_right_arithmetic3A_339 = arith.constant 6 : i32
        %shift_right_arithmetic3A_340 = vector.broadcast %shift_right_arithmetic3A_339 : i32 to vector<16xi32>
        %shift_right_arithmetic3A_341 = arith.shrsi %add3A_77, %shift_right_arithmetic3A_340 : vector<16xi32>
        %shift_left3A_342 = arith.constant 9 : i32
        %shift_left3A_343 = vector.broadcast %shift_left3A_342 : i32 to vector<16xi32>
        %shift_left3A_344 = arith.shli %shift_right_arithmetic3A_341, %shift_left3A_343 : vector<16xi32>
        %and3A_345 = arith.constant 63 : i32
        %and3A_346 = vector.broadcast %and3A_345 : i32 to vector<16xi32>
        %and3A_347 = arith.andi %add3A_77, %and3A_346 : vector<16xi32>
        %add3A_348 = arith.constant 0 : i32
        %add3A_349 = vector.broadcast %add3A_348 : i32 to vector<16xi32>
        %add3A_350 = arith.addi %shift_left3A_344, %add3A_349 : vector<16xi32>
        %add3A_351 = arith.addi %add3A_350, %and3A_347 : vector<16xi32>
        tpu.vector_store_idx %arg10[%add3A_351], %add3A_299 : memref<2048xf32, #tpu.memory_space<vmem>>[vector<16xi32>], vector<16xf32>,
        %add3A_352 = arith.constant 128 : i32
        %add3A_353 = vector.broadcast %add3A_352 : i32 to vector<16xi32>
        %add3A_354 = arith.addi %shift_left3A_344, %add3A_353 : vector<16xi32>
        %add3A_355 = arith.addi %add3A_354, %and3A_347 : vector<16xi32>
        tpu.vector_store_idx %arg10[%add3A_355], %add3A_312 : memref<2048xf32, #tpu.memory_space<vmem>>[vector<16xi32>], vector<16xf32>,
        %add3A_356 = arith.constant 256 : i32
        %add3A_357 = vector.broadcast %add3A_356 : i32 to vector<16xi32>
        %add3A_358 = arith.addi %shift_left3A_344, %add3A_357 : vector<16xi32>
        %add3A_359 = arith.addi %add3A_358, %and3A_347 : vector<16xi32>
        tpu.vector_store_idx %arg10[%add3A_359], %add3A_325 : memref<2048xf32, #tpu.memory_space<vmem>>[vector<16xi32>], vector<16xf32>,
        %add3A_360 = arith.constant 384 : i32
        %add3A_361 = vector.broadcast %add3A_360 : i32 to vector<16xi32>
        %add3A_362 = arith.addi %shift_left3A_344, %add3A_361 : vector<16xi32>
        %add3A_363 = arith.addi %add3A_362, %and3A_347 : vector<16xi32>
        tpu.vector_store_idx %arg10[%add3A_363], %add3A_338 : memref<2048xf32, #tpu.memory_space<vmem>>[vector<16xi32>], vector<16xf32>,
      }
      %scan3A_66 = arith.constant 16 : i32
      %mul3A_67 = arith.constant 8 : i32
      %mul3A_68 = arith.muli %mul3A_67, %add3A_32 : i32
      "tpu.region"() ({
        %run_scoped3A = tpu.sem_alloc : memref<!tpu.dma_semaphore, #tpu.memory_space<semaphore_mem>>
        %dma_start3A_69 = tpu.memref_slice %arg4[%mul3A_68] : memref<4194304xf32, #tpu.memory_space<hbm>> -> memref<2048xf32, #tpu.memory_space<hbm>>
        %dma_start3A_70 = tpu.memref_slice %arg4[%mul3A_68] : memref<4194304xf32, #tpu.memory_space<hbm>> -> memref<2048xf32, #tpu.memory_space<hbm>>
        tpu.enqueue_dma source(%arg10 : memref<2048xf32, #tpu.memory_space<vmem>>) target(%dma_start3A_70 : memref<2048xf32, #tpu.memory_space<hbm>>) target_semaphore(%run_scoped3A : memref<!tpu.dma_semaphore, #tpu.memory_space<semaphore_mem>>)
        %dma_wait3A_71 = tpu.memref_slice %arg4[%mul3A_68] : memref<4194304xf32, #tpu.memory_space<hbm>> -> memref<2048xf32, #tpu.memory_space<hbm>>
        %dma_wait3A_72 = tpu.memref_slice %arg4[%mul3A_68] : memref<4194304xf32, #tpu.memory_space<hbm>> -> memref<2048xf32, #tpu.memory_space<hbm>>
        tpu.wait_dma2 semaphore(%run_scoped3A : memref<!tpu.dma_semaphore, #tpu.memory_space<semaphore_mem>>) src(%arg10 : memref<2048xf32, #tpu.memory_space<vmem>>) dst(%dma_wait3A_72 : memref<2048xf32, #tpu.memory_space<hbm>>)
        tpu.yield
      }) : () -> ()
    }
    %scan3A_24 = arith.constant 64 : i32
    return
  }
}

</mosaic_0001>

<sc_bundles>
// kernel: kernel.3.cloned.1.call-start
scs
__scs_entry_jumppad:
0x0: {  	(pc) =	sbr.rel $0x88, $3  }
0x1: {  	(tag) =	ssettag $0x0;
	lr =	simm.s32 $0x1  }
0x2: {  	[smem:$0x3F9F] =	sst lr;
	_ =	strace $0xD0000000  }
0x3: {  	_ = 	snop  }
0x4: {  	_ = 	snop  }
0x5: {  	_ = 	snop  }
0x6: {  	_ = 	snop  }
0x7: {  	_ = 	snop  }
__scs_overlays_trampoline_lowered:
0x8: {  	[smem:$0x3FAE] =	sst s0  }
0x9: {  	[smem:$0x3FAF] =	sst s1  }
0xa: {  	[smem:$0x3FB0] =	sst s2  }
0xb: {  	[smem:$0x3FB1] =	sst s3  }
0xc: {  	[smem:$0x3FB2] =	sst s4  }
0xd: {  	[smem:$0x3FB3] =	sst s5  }
0xe: {  	[smem:$0x3FB4] =	sst s6  }
0xf: {  	[smem:$0x3FB5] =	sst s7  }
0x10: {  	[smem:$0x3FB6] =	sst s8  }
0x11: {  	[smem:$0x3FB7] =	sst s9;
	s0 =	simm.s32 @!p0 $0x0  }
0x12: {  	s1 =	sld [smem:$0x3F9D];
	s0 =	simm.s32 @p0 $0x1  }
0x13: {  	[smem:$0x3FB8] =	sst s0;
	s0 =	simm.s32 @!p1 $0x0  }
0x14: {  	s2 =	sld [smem:$0x3F9C];
	s0 =	simm.s32 @p1 $0x1  }
0x15: {  	[smem:$0x3FB9] =	sst s0;
	s0 =	simm.s32 @!p2 $0x0  }
0x16: {  	s3 =	sld [smem:$0x3FDB];
	s0 =	simm.s32 @p2 $0x1  }
0x17: {  	s4 =	simm.s32 $0x1BF5;
	[smem:$0x3FBB] =	sst s0  }
0x18: {  	s0 =	sld [smem:$0x3F9E];
	_ =	swait.ge [sflag:s4], $0x0  }
0x19: {  	s7 =	sld [smem:$0x3F9F]  }
0x1a: {  	s8 =	sadd.s32 $0xFFFFE003, lr  }
0x1b: {  	s9 =	sadd.s32 $0xFFFFFEF7, lr;
	s5 =	simm.s32 $0xFFFFFFFF;
	p2 =	slt.u32 s8, $0xFFFFF086  }
0x1c: {  	p1 =	slt.u32 s9, $0xF7A;
	s5 =	simm.s32 @!p2 $0x0  }
0x1d: {  	s5 =	simm.s32 @p1 $0x1;
	p0 =	seq.s32 s7, s2  }
0x1e: {  	s7 =	smul.u32 @!p0 $0xF7A, s2;
	p2 =	seq.s32 @!p0 s5, $0x0  }
0x1f: {  	s9 =	smul.u32 $0xF7A, s1;
	s8 =	simm.s32 @!p0 $0x1BF5;
	p2 =	por !p2, p0  }
0x20: {  	[sflag:s8] =	ssyncset.s32 @!p0 $0xFFFFF086;
	s6 =	sadd.s32 @!p0 s3, s7;
	s7 =	simm.s32 @!p0 $0x108  }
0x21: {  	s3 =	sadd.s32 s3, s9;
	s6 =	sadd.s32 @!p0 $0x88, s6;
	s7 =	simm.s32 @p2 $0x1082  }
0x22: {  	[simem:s7], [sflag:s8] =	dma.local @!p0 [hbm:s6], $0xF7A  }
0x23: {  	s9 =	sor.u32 $0xD0000000, s2;
	s6 =	simm.s32 $0x108;
	_ =	swait.ge @!p0 [sflag:s8], $0x0  }
0x24: {  	s3 =	sadd.s32 $0x88, s3;
	s6 =	simm.s32 @!p1 $0x1082;
	[sflag:s4] =	ssyncset.s32 $0xFFFFF086  }
0x25: {  	[simem:s6], [sflag:s4] =	dma.local [hbm:s3], $0xF7A  }
0x26: {  	[smem:$0x3F9F] =	sst s1;
	(tag) =	ssettag s2;
	_ =	strace s9  }
0x27: {  	s1 =	sld [smem:$0x3FAF]  }
0x28: {  	s2 =	sld [smem:$0x3FB0]  }
0x29: {  	s4 =	sld [smem:$0x3FB2]  }
0x2a: {  	p0 =	seq.s32 s5, $0x0;
	s5 =	sld [smem:$0x3FB3]  }
0x2b: {  	s6 =	sld [smem:$0x3FB4]  }
0x2c: {  	s7 =	sld [smem:$0x3FB5]  }
0x2d: {  	s3 =	simm.s32 $0x108;
	s8 =	sld [smem:$0x3FB6]  }
0x2e: {  	s3 =	simm.s32 @!p0 $0x1082;
	s9 =	sld [smem:$0x3FB7]  }
0x2f: {  	lr =	sadd.s32 s0, s3;
	s0 =	sld [smem:$0x3FAE]  }
0x30: {  	s3 =	sld [smem:$0x3FB1]  }
0x31: {  	[smem:$0x3FBA] =	sst s10  }
0x32: {  	s10 =	sld [smem:$0x3FB8];
	_ =	sdelay $0x3  }
0x33: {  	p0 =	seq.s32 s10, $0x1;
	s10 =	sld [smem:$0x3FBA];
	_ =	sdelay $0x3  }
0x34: {  	[smem:$0x3FBA] =	sst s10  }
0x35: {  	s10 =	sld [smem:$0x3FB9];
	_ =	sdelay $0x3  }
0x36: {  	p1 =	seq.s32 s10, $0x1;
	s10 =	sld [smem:$0x3FBA];
	_ =	sdelay $0x3  }
0x37: {  	[smem:$0x3FBA] =	sst s10  }
0x38: {  	s10 =	sld [smem:$0x3FBB]  }
0x39: {  	_ = 	snop;
	(pc) =	sbr.ind lr, $3  }
0x3a: {  	_ = 	snop  }
0x3b: {  	_ = 	snop  }
0x3c: {  	p2 =	seq.s32 s10, $0x1;
	s10 =	sld [smem:$0x3FBA]  }
0x3d: {  	_ =	shalt  }
0x3e: {  	_ =	shalt  }
0x3f: {  	_ =	shalt  }
0x40: {  	_ =	shalt  }
0x41: {  	_ =	shalt  }
0x42: {  	_ =	shalt  }
0x43: {  	_ =	shalt  }
0x44: {  	_ =	shalt  }
0x45: {  	_ =	shalt  }
0x46: {  	_ =	shalt  }
0x47: {  	_ =	shalt  }
0x48: {  	_ =	shalt  }
0x49: {  	_ =	shalt  }
0x4a: {  	_ =	shalt  }
0x4b: {  	_ =	shalt  }
0x4c: {  	_ =	shalt  }
0x4d: {  	_ =	shalt  }
0x4e: {  	_ =	shalt  }
0x4f: {  	_ =	shalt  }
0x50: {  	_ =	shalt  }
0x51: {  	_ =	shalt  }
0x52: {  	_ =	shalt  }
0x53: {  	_ =	shalt  }
0x54: {  	_ =	shalt  }
0x55: {  	_ =	shalt  }
0x56: {  	_ =	shalt  }
0x57: {  	_ =	shalt  }
0x58: {  	_ =	shalt  }
0x59: {  	_ =	shalt  }
0x5a: {  	_ =	shalt  }
0x5b: {  	_ =	shalt  }
0x5c: {  	_ =	shalt  }
0x5d: {  	_ =	shalt  }
0x5e: {  	_ =	shalt  }
0x5f: {  	_ =	shalt  }
0x60: {  	_ =	shalt  }
0x61: {  	_ =	shalt  }
0x62: {  	_ =	shalt  }
0x63: {  	_ =	shalt  }
0x64: {  	_ =	shalt  }
0x65: {  	_ =	shalt  }
0x66: {  	_ =	shalt  }
0x67: {  	_ =	shalt  }
0x68: {  	_ =	shalt  }
0x69: {  	_ =	shalt  }
0x6a: {  	_ =	shalt  }
0x6b: {  	_ =	shalt  }
0x6c: {  	_ =	shalt  }
0x6d: {  	_ =	shalt  }
0x6e: {  	_ =	shalt  }
0x6f: {  	_ =	shalt  }
0x70: {  	_ =	shalt  }
0x71: {  	_ =	shalt  }
0x72: {  	_ =	shalt  }
0x73: {  	_ =	shalt  }
0x74: {  	_ =	shalt  }
0x75: {  	_ =	shalt  }
0x76: {  	_ =	shalt  }
0x77: {  	_ =	shalt  }
0x78: {  	_ =	shalt  }
0x79: {  	_ =	shalt  }
0x7a: {  	_ =	shalt  }
0x7b: {  	_ =	shalt  }
0x7c: {  	_ =	shalt  }
0x7d: {  	_ =	shalt  }
0x7e: {  	_ =	shalt  }
0x7f: {  	_ =	shalt  }
0x80: {  	_ =	shalt  }
0x81: {  	_ =	shalt  }
0x82: {  	_ =	shalt  }
0x83: {  	_ =	shalt  }
0x84: {  	_ =	shalt  }
0x85: {  	_ =	shalt  }
0x86: {  	_ =	shalt  }
0x87: {  	_ =	shalt  }
.Lfunc_end0:
.L_simem_size_0:
called_computation_lowered:
.L_overlay_start_0:
0x88: {  	s2 =	sld [smem:$0x3FD9]  }
0x89: {  	s3 =	sld [smem:$0x3FFE];
	_ =	sdelay $0x1  }
0x8a: {  	s1 =	srdreg.scid  }
0x8b: {  	s0 =	sand.u32 $0x1, s1  }
0x8c: {  	s17 =	sshll.u32 s0, $0xA;
	s2 =	sadd.s32 s3, s2  }
0x8d: {  	s2 =	sadd.s32 s2, s17  }
0x8e: {  	[smem:$0x3FC6] =	sst s2  }
0x8f: {  	_ = 	snop  }
0x90: {  	s2 =	sld [smem:$0x3FC9]  }
0x91: {  	s18 =	sld [smem:$0x3FD0];
	(tm) =	ssettm $0x1  }
0x92: {  	s4 =	sld [smem:$0x3FFB];
	_ =	sdelay $0x3  }
0x93: {  	_ =	strace s4  }
0x94: {  	s4 =	sld [smem:$0x3FFC];
	_ =	sdelay $0x3  }
0x95: {  	_ =	strace s4  }
0x96: {  	s4 =	sld [smem:$0x3FFD];
	_ =	sdelay $0x3  }
0x97: {  	_ =	strace s4  }
0x98: {  	_ =	strace $0x8FFFFFFF  }
0x99: {  	s19 =	sld [smem:$0x3FDB];
	_ =	sdelay $0x1  }
0x9a: {  	s5 =	simm.s32 $_scs_section_size  }
0x9b: {  	s6 =	simm.s32 $_size__tile_overlayer_lowered;
	s7 =	simm.s32 $_tile_overlayer_lowered  }
0x9c: {  	s22 =	simm.s32 $0x1BFF;
	s21 =	sshll.u32 s7, $0x1;
	s4 =	sadd.s32 s5, s19  }
0x9d: {  	s8 =	simm.s32 $0x0;
	s20 =	sshll.u32 s6, $0x1;
	s6 =	sadd.s32 s21, s4  }
0x9e: {  	[timem:s8], [sflag:s22] =	dma.local [hbm:s6], s20  }
0x9f: {  	_ =	swait.ge [sflag:s22], s20  }
0xa0: {  	s5 =	ssub.s32 $0x0, s20;
	[sflag:s22] =	ssyncset.done $0x0  }
0xa1: {  	[sflag:s22] =	ssyncadd.s32 s5;
	_ =	sdelay $0x1  }
0xa2: {  	s23 =	simm.s32 $0x1B8B  }
0xa3: {  	_ =	swait.ge [sflag:s23], $0x1  }
0xa4: {  	[sflag:s23] =	ssyncset.done $0x0  }
0xa5: {  	s25 =	simm.s32 $0x1B8E;
	s24 =	sld [smem:$0x3FFE];
	[sflag:s23] =	ssyncadd.s32 $0xFFFFFFFF  }
0xa6: {  	s26 =	simm.s32 $execute0_lowered;
	[smem:$0x3FD2] =	sst s25  }
0xa7: {  	s6 =	sshll.u32 s26, $0x1;
	_ =	strace $0x80000046;
	[dreg:$0x1] =	wrdreg $0xFFFFFFFF  }
0xa8: {  	s28 =	simm.s32 $_size_execute0_lowered;
	s4 =	sadd.s32 s4, s6;
	[dreg:$0x0] =	wrdreg $0x0  }
0xa9: {  	s6 =	sshll.u32 s28, $0x1;
	[dreg:$0x2] =	wrdreg s4  }
0xaa: {  	[dreg:$0x3] =	wrdreg s6  }
0xab: {  	[dreg:$0x4] =	wrdreg $0xC0  }
0xac: {  	_ =	task [dreg:s8], $0x5FFFF  }
0xad: {  	[dreg:$0x1] =	wrdreg $0xFFFFFFFF  }
0xae: {  	[dreg:$0x0] =	wrdreg $0x60  }
0xaf: {  	[dreg:$0x2] =	wrdreg s2  }
0xb0: {  	[dreg:$0x3] =	wrdreg s18  }
0xb1: {  	[dreg:$0x4] =	wrdreg s24  }
0xb2: {  	[dreg:$0x5] =	wrdreg $0x9  }
0xb3: {  	_ =	task.clear_ibuf [dreg:s8], $0x6FFFF;
	_ =	strace $0x90000046  }
0xb4: {  	s29 =	simm.s32 $0x9;
	_ =	strace $0x80000048  }
0xb5: {  	_ =	swait.ge [sflag:s29], $0x1  }
0xb6: {  	[sflag:s29] =	ssyncadd.s32 $0xFFFFFFFF  }
0xb7: {  	_ =	strace $0x90000048  }
0xb8: {  	_ =	sfence  }
0xb9: {  	s30 =	sld [smem:$0x0];
	_ =	sdelay $0x2  }
0xba: {  	s31 =	sshll.u32 s1, $0xD;
	s1 =	sshrl.u32 s1, $0x2  }
0xbb: {  	s3 =	sand.u32 $0x4000, s31;
	s1 =	sadd.s32 s1, s30  }
0xbc: {  	s0 =	sor.u32 s3, s0;
	s1 =	sshll.u32 s1, $0x11  }
0xbd: {  	s0 =	sor.u32 s1, s0  }
0xbe: {  	s0 =	sadd.s32 $0x8F2B, s0  }
0xbf: {  	[sflag:s0] =	ssyncadd.remote.s32 $0x1  }
0xc0: {  	_ =	sfence.sel $0xFFFF  }
0xc1: {  	[dreg:$0x0] =	wrdreg $0xFFFFFFFF;
	(pc) =	sbr.abs _section_cstart, $3  }
0xc2: {  	[dreg:$0x1] =	wrdreg $0xFFFFFFFF  }
0xc3: {  	_ =	task.clear_ibuf [dreg:s8], $0x2FFFF;
	_ =	strace $0x9FFFFFFF  }
0xc4: {  	(tm) =	ssettm $0x7FFFFFFF  }
0xc5: {  	_ =	shalt  }
tec
execute0_lowered:
.L_overlay_start_1:
0x0: {  	(tag) =	ssettag $0x1  }
0x1: {  	s2 =	rddreg [dreg:$0x0]  }
0x2: {  	s3 =	rddreg [dreg:$0x1];
	s1 =	stileid.u32;
	v0 =	vlaneseq.u32  }
0x3: {  	s5 =	rddreg [dreg:$0x2];
	s7 =	sshll.u32 s1, $0xB;
	v20 =	vand.u32 $0x7, v0  }
0x4: {  	s0 =	rddreg [dreg:$0x3];
	s4 =	simm.s32 $0x0;
	v16 =	vmul.u32 $0x8, v0;
	s7 =	sand.u32 $0x4000, s7;
	v18 =	vor.u32 $0xFFFFFE38, v20;
	v19 =	vor.u32 $0x80, v20  }
0x5: {  	s10 =	simm.s32 $0x200;
	s11 =	simm.s32 $0x2000;
	[smem:$0x7FF] =	sst s4;
	v21 =	vor.u32 $0x100, v20;
	v17 =	vor.u32 $0x180, v20;
	v1 =	vmov s7  }
0x6: {  	s6 =	srdreg.scid;
	s9 =	simm.s32 $0x100;
	_ =	strace $0x80000047;
	v2 =	vor.u32 $0x7800, v16;
	v3 =	vor.u32 $0x7000, v16;
	v4 =	vor.u32 $0x6800, v16;
	[tilespmem:$0x1FFB0] =	vst v18  }
0x7: {  	s12 =	simm.s32 $0x300;
	s13 =	simm.s32 $0x2700;
	s6 =	sand.u32 $0x1, s6;
	v5 =	vor.u32 $0x6000, v16;
	v6 =	vor.u32 $0x5800, v16;
	v7 =	vor.u32 $0x5000, v16;
	[tilespmem:$0x1FFC0] =	vst v19  }
0x8: {  	s14 =	simm.s32 $0x1;
	s15 =	simm.s32 $0x12700;
	s8 =	ssub.s32 $0x2, s6;
	v8 =	vor.u32 $0x4800, v16;
	v9 =	vor.u32 $0x4000, v16;
	v10 =	vor.u32 $0x3800, v16;
	[tilespmem:$0x1FFD0] =	vst v21  }
0x9: {  	s16 =	simm.s32 $0x0;
	s31 =	sshll.u32 s1, $0xF;
	s30 =	sshrl.u32 s8, $0x1;
	v11 =	vor.u32 $0x3000, v16;
	v12 =	vor.u32 $0x2800, v16;
	v13 =	vor.u32 $0x2000, v16;
	[tilespmem:$0x1FFE0] =	vst v17  }
0xa: {  	s5 =	sadd.s32 $0x400, s5;
	s6 =	sshll.u32 s6, $0xE;
	v14 =	vor.u32 $0x1800, v16;
	v15 =	vor.u32 $0x1000, v16;
	v16 =	vor.u32 $0x800, v16;
	s7 =	ssub.s32 s8, s30;
	[tilespmem:$0x1FFA0] =	vst v1  }
0xb: {  	s6 =	sor.u32 s6, s31;
	s8 =	simm.s32 $0x2;
	[tilespmem:$0x1FFF0] =	vst v16;
	s7 =	smax.u32 s7, $0x1  }
.LBB2_1:
0xc: {  	s17 =	simm.s32 $0x0  }
.LBB2_2:
0xd: {  	s19 =	sshll.u32 s17, $0x8  }
0xe: {  	s18 =	sadd.s32 s6, s19  }
0xf: {  	s20 =	sshrl.u32 s18, $0xC  }
0x10: {  	s20 =	smul.u32 $0x3000, s20  }
0x11: {  	s19 =	sand.u32 $0xF00, s19  }
0x12: {  	s19 =	sor.u32 s19, s20  }
0x13: {  	s20 =	sshrl.u32 s19, $0x3  }
0x14: {  	s21 =	simm.s32 $0x0;
	s20 =	sadd.s32 s3, s20  }
0x15: {  	[tilespmem:s21], [sflag:$0x2] =	stream.linear.gather [hbm4b:s20+s21], $0x100, $0x38;
	[tilespmem:$0x12F00] =	vst v63  }
0x16: {  	s31 =	sadd.s32 $0x1000, s19;
	_ =	swait.ge [sflag:s8], $0x100  }
0x17: {  	s20 =	sshrl.u32 s31, $0x3;
	[sflag:s8] =	ssyncset.done $0x0  }
0x18: {  	s20 =	sadd.s32 s3, s20;
	[sflag:s8] =	ssyncadd.s32 $0xFFFFFF00  }
0x19: {  	[tilespmem:s9], [sflag:$0x2] =	stream.linear.gather [hbm4b:s20+s21], $0x100, $0x38;
	[tilespmem:$0x12F00] =	vst v63  }
0x1a: {  	s19 =	sadd.s32 $0x2000, s19;
	_ =	swait.ge [sflag:s8], $0x100  }
0x1b: {  	s19 =	sshrl.u32 s19, $0x3;
	[sflag:s8] =	ssyncset.done $0x0  }
0x1c: {  	s19 =	sadd.s32 s3, s19;
	[sflag:s8] =	ssyncadd.s32 $0xFFFFFF00  }
0x1d: {  	[tilespmem:s10], [sflag:$0x2] =	stream.linear.gather [hbm4b:s19+s21], $0x100, $0x38;
	[tilespmem:$0x12F00] =	vst v63  }
0x1e: {  	_ =	swait.ge [sflag:s8], $0x100  }
0x1f: {  	[sflag:s8] =	ssyncset.done $0x0  }
0x20: {  	s19 =	simm.s32 $0x0;
	[sflag:s8] =	ssyncadd.s32 $0xFFFFFF00  }
0x21: {  	v21 =	vld [tilespmem:s19+$0x0];
	_ =	sdelay $0x1  }
0x22: {  	v24 =	vld [tilespmem:s19+$0x100]  }
0x23: {  	v26 =	vld [tilespmem:s19+$0x200];
	_ =	sdelay $0x1  }
0x24: {  	v22 =	vtrunc.f32 v21  }
0x25: {  	v22 =	vcvt.f32.s32 v22  }
0x26: {  	v23 =	vtrunc.f32 v24  }
0x27: {  	v25 =	vtrunc.f32 v26;
	v23 =	vcvt.f32.s32 v23;
	vm0 =	vgt.s32 v22, $0x0  }
0x28: {  	v25 =	vcvt.f32.s32 v25;
	v22 =	vnsel vm0, $0x0, v22  }
0x29: {  	vm12 =	vgt.s32 v23, $0x0;
	v22 =	vmin.u32 v22, $0x7E  }
0x2a: {  	vm13 =	vgt.s32 v25, $0x0;
	v23 =	vnsel vm12, $0x0, v23;
	v27 =	vshll.u32 v22, $0x7  }
0x2b: {  	v25 =	vnsel vm13, $0x0, v25;
	v23 =	vmin.u32 v23, $0x7E;
	v27 =	vor.u32 v1, v27  }
0x2c: {  	v37 =	vmin.u32 v25, $0x7E;
	v25 =	vor.u32 v23, v27  }
0x2d: {  	v27 =	vshrl.u32 v37, $0x3;
	v25 =	vshll.u32 v25, $0x6  }
0x2e: {  	v27 =	vor.u32 v27, v25  }
0x2f: {  	[tilespmem:s19+$0x300] =	vst v27;
	v25 =	vor.u32 $0x10, v27  }
0x30: {  	v22 =	vcvt.s32.f32 v22;
	v29 =	vor.u32 $0x20, v27;
	[tilespmem:s19+$0x400] =	vst v25  }
0x31: {  	v30 =	vcvt.s32.f32 v23;
	v31 =	vadd.s32 $0x40, v27;
	[tilespmem:s19+$0x500] =	vst v29  }
0x32: {  	v21 =	vsub.f32 v21, v22;
	v28 =	vadd.s32 $0x2071, v27;
	v32 =	vadd.s32 $0x50, v27;
	[tilespmem:s19+$0x700] =	vst v31  }
0x33: {  	v33 =	vadd.s32 $0x60, v27;
	v34 =	vadd.s32 $0x71, v27;
	v35 =	vadd.s32 $0x2000, v27;
	[tilespmem:s19+$0x800] =	vst v32  }
0x34: {  	v36 =	vadd.s32 $0x2010, v27;
	v38 =	vadd.s32 $0x2020, v27;
	v39 =	vadd.s32 $0x2031, v27;
	[tilespmem:s19+$0x900] =	vst v33  }
0x35: {  	v40 =	vadd.s32 $0x2040, v27;
	v22 =	vadd.s32 $0x2050, v27;
	v63 =	vmin.u32 v27, $0x1FFFCE;
	[tilespmem:s19+$0xB00] =	vst v35  }
0x36: {  	v23 =	vadd.s32 $0x2060, v27;
	vm14 =	vlt.s32 v28, $0x1FFFFF;
	v25 =	vmin.u32 v25, $0x1FFFFE;
	[tilespmem:s19+$0xC00] =	vst v36  }
0x37: {  	v29 =	vmin.u32 v29, $0x1FFFFE;
	v31 =	vmin.u32 v31, $0x1FFFFE;
	v32 =	vmin.u32 v32, $0x1FFFFE;
	[tilespmem:s19+$0xD00] =	vst v38  }
0x38: {  	v33 =	vmin.u32 v33, $0x1FFFFE;
	vm15 =	vlt.s32 v34, $0x1FFFFF;
	[tilespmem:s19+$0xF00] =	vst v40;
	v28 =	vnsel vm14, $0x1FFFFF, v28  }
0x39: {  	v35 =	vmin.u32 v35, $0x1FFFFE;
	v36 =	vmin.u32 v36, $0x1FFFFE;
	v25 =	vadd.s32 $0x1, v25;
	[tilespmem:s19+$0x2200] =	vst v28  }
0x3a: {  	v38 =	vmin.u32 v38, $0x1FFFFE;
	vm1 =	vlt.s32 v39, $0x1FFFFF;
	v31 =	vadd.s32 $0x1, v31;
	[tilespmem:s19+$0x1400] =	vst v25  }
0x3b: {  	v41 =	vmin.u32 v22, $0x1FFFFE;
	v42 =	vmin.u32 v23, $0x1FFFFE;
	v32 =	vadd.s32 $0x1, v32;
	[tilespmem:s19+$0x1700] =	vst v31  }
0x3c: {  	v43 =	vadd.s32 $0x1, v36;
	v38 =	vadd.s32 $0x1, v38;
	v36 =	vadd.s32 $0x31, v63;
	[tilespmem:s19+$0x1800] =	vst v32  }
0x3d: {  	v28 =	vcvt.s32.f32 v37;
	v25 =	vadd.s32 $0x1, v29;
	v29 =	vmin.u32 v40, $0x1FFFFE;
	[tilespmem:s19+$0x1C00] =	vst v43  }
0x3e: {  	v32 =	vadd.s32 $0x1, v42;
	v31 =	vadd.s32 $0x1, v27;
	[tilespmem:s19+$0x1500] =	vst v25;
	v25 =	vsub.f32 v24, v30  }
0x3f: {  	[tilespmem:s19+$0x1D00] =	vst v38;
	v30 =	vadd.s32 $0x1, v35;
	v35 =	vadd.s32 $0x1, v29;
	v29 =	vor.u32 $0x30, v27  }
0x40: {  	v24 =	vsub.f32 v26, v28;
	v26 =	vadd.s32 $0x1, v33;
	v28 =	vnsel vm15, $0x1FFFFF, v34;
	[tilespmem:s19+$0x1B00] =	vst v30  }
0x41: {  	v34 =	vnsel vm1, $0x1FFFFF, v39;
	v33 =	vadd.s32 $0x1, v41;
	v30 =	vadd.s32 $0x70, v27;
	[tilespmem:s19+$0x1900] =	vst v26  }
0x42: {  	s20 =	simm.s32 $0x10;
	s21 =	simm.s32 $0x80;
	[tilespmem:s19+$0x1A00] =	vst v28;
	v28 =	vadd.s32 $0x2030, v27;
	v27 =	vadd.s32 $0x2070, v27;
	v26 =	vand.u32 $0x7, v37  }
.LBB2_3:
0x43: {  	p0 =	sne.s32 s21, $0x3C0;
	v37 =	vld [tilespmem:s20+$0x0];
	[tilespmem:s19+$0x1E00] =	vst v34  }
0x44: {  	[tilespmem:s19+$0x1F00] =	vst v35  }
0x45: {  	v34 =	vld [tilespmem:s20+$0x100];
	[tilespmem:s19+$0x2000] =	vst v33  }
0x46: {  	v33 =	vld [tilespmem:s20+$0x200];
	[tilespmem:s19+$0x2100] =	vst v32  }
0x47: {  	[tilespmem:s19+$0x1600] =	vst v36  }
0x48: {  	v32 =	vtrunc.f32 v37;
	[tilespmem:s19+$0x1300] =	vst v31  }
0x49: {  	v31 =	vcvt.f32.s32 v32;
	[tilespmem:s19+$0x600] =	vst v29  }
0x4a: {  	v29 =	vtrunc.f32 v34;
	[tilespmem:s19+$0xA00] =	vst v30  }
0x4b: {  	vm0 =	vgt.s32 v31, $0x0;
	v29 =	vcvt.f32.s32 v29;
	v30 =	vtrunc.f32 v33;
	[tilespmem:s19+$0xE00] =	vst v28  }
0x4c: {  	v28 =	vnsel vm0, $0x0, v31;
	v30 =	vcvt.f32.s32 v30;
	[tilespmem:s19+$0x1000] =	vst v22  }
0x4d: {  	v22 =	vmin.u32 v28, $0x7E;
	vm0 =	vgt.s32 v29, $0x0;
	[tilespmem:s19+$0x1100] =	vst v23  }
0x4e: {  	v23 =	vnsel vm0, $0x0, v29;
	vm0 =	vgt.s32 v30, $0x0;
	v28 =	vshll.u32 v22, $0x7;
	[tilespmem:s19+$0x1200] =	vst v27  }
0x4f: {  	v23 =	vmin.u32 v23, $0x7E;
	v27 =	vnsel vm0, $0x0, v30;
	v28 =	vor.u32 v1, v28;
	[tilespmem:s19+$0x2300] =	vst v21  }
0x50: {  	v21 =	vcvt.s32.f32 v22;
	v38 =	vmin.u32 v27, $0x7E;
	v22 =	vor.u32 v23, v28;
	[tilespmem:s19+$0x2400] =	vst v25  }
0x51: {  	v25 =	vcvt.s32.f32 v23;
	v23 =	vshrl.u32 v38, $0x3;
	v22 =	vshll.u32 v22, $0x6;
	[tilespmem:s19+$0x2500] =	vst v24  }
0x52: {  	v21 =	vsub.f32 v37, v21;
	v24 =	vcvt.s32.f32 v38;
	v27 =	vor.u32 v23, v22;
	[tilespmem:s19+$0x2600] =	vst v26;
	s19 =	smov.u32 s20  }
0x53: {  	[tilespmem:s19+$0x300] =	vst v27;
	v23 =	vor.u32 $0x10, v27;
	v26 =	vor.u32 $0x20, v27;
	v22 =	vadd.s32 $0x2071, v27  }
0x54: {  	v28 =	vadd.s32 $0x40, v27;
	v29 =	vadd.s32 $0x50, v27;
	[tilespmem:s19+$0x400] =	vst v23;
	vm0 =	vlt.s32 v22, $0x1FFFFF  }
0x55: {  	v30 =	vadd.s32 $0x60, v27;
	v31 =	vadd.s32 $0x71, v27;
	[tilespmem:s19+$0x500] =	vst v26;
	v22 =	vnsel vm0, $0x1FFFFF, v22  }
0x56: {  	v32 =	vadd.s32 $0x2000, v27;
	v35 =	vadd.s32 $0x2010, v27;
	v36 =	vadd.s32 $0x2020, v27;
	[tilespmem:s19+$0x2200] =	vst v22  }
0x57: {  	v37 =	vadd.s32 $0x2031, v27;
	v39 =	vadd.s32 $0x2040, v27;
	v22 =	vadd.s32 $0x2050, v27;
	[tilespmem:s19+$0x700] =	vst v28  }
0x58: {  	v40 =	vmin.u32 v23, $0x1FFFFE;
	v23 =	vadd.s32 $0x2060, v27;
	v26 =	vmin.u32 v26, $0x1FFFFE;
	[tilespmem:s19+$0x800] =	vst v29  }
0x59: {  	v28 =	vmin.u32 v28, $0x1FFFFE;
	v29 =	vmin.u32 v29, $0x1FFFFE;
	[tilespmem:s19+$0x900] =	vst v30;
	v30 =	vmin.u32 v30, $0x1FFFFE  }
0x5a: {  	v41 =	vmin.u32 v35, $0x1FFFFE;
	vm0 =	vlt.s32 v31, $0x1FFFFF;
	[tilespmem:s19+$0xB00] =	vst v32;
	v32 =	vmin.u32 v32, $0x1FFFFE  }
0x5b: {  	vm1 =	vlt.s32 v37, $0x1FFFFF;
	v42 =	vmin.u32 v39, $0x1FFFFE;
	[tilespmem:s19+$0xC00] =	vst v35;
	v35 =	vmin.u32 v36, $0x1FFFFE  }
0x5c: {  	v43 =	vmin.u32 v27, $0x1FFFCE;
	v44 =	vmin.u32 v23, $0x1FFFFE;
	[tilespmem:s19+$0xD00] =	vst v36;
	v36 =	vmin.u32 v22, $0x1FFFFE  }
0x5d: {  	v25 =	vsub.f32 v34, v25;
	v24 =	vsub.f32 v33, v24;
	v33 =	vadd.s32 $0x1, v40;
	[tilespmem:s19+$0xF00] =	vst v39  }
0x5e: {  	v26 =	vadd.s32 $0x1, v26;
	v28 =	vadd.s32 $0x1, v28;
	v29 =	vadd.s32 $0x1, v29;
	[tilespmem:s19+$0x1400] =	vst v33  }
0x5f: {  	v40 =	vadd.s32 $0x1, v32;
	v39 =	vnsel vm0, $0x1FFFFF, v31;
	[tilespmem:s19+$0x1500] =	vst v26;
	v26 =	vadd.s32 $0x1, v30  }
0x60: {  	v41 =	vadd.s32 $0x1, v41;
	v34 =	vnsel vm1, $0x1FFFFF, v37;
	v45 =	vadd.s32 $0x1, v35;
	[tilespmem:s19+$0x1700] =	vst v28  }
0x61: {  	v32 =	vadd.s32 $0x1, v44;
	v35 =	vadd.s32 $0x1, v42;
	v33 =	vadd.s32 $0x1, v36;
	[tilespmem:s19+$0x1800] =	vst v29  }
.Ltmp0:
0x62: {  	v31 =	vadd.s32 $0x1, v27;
	v36 =	vadd.s32 $0x31, v43;
	v29 =	vor.u32 $0x30, v27;
	[tilespmem:s19+$0x1900] =	vst v26;
	(pc) =	sbr.rel @p0 .LBB2_3-.Ltmp0, $4  }
0x63: {  	v30 =	vadd.s32 $0x70, v27;
	v28 =	vadd.s32 $0x2030, v27;
	v27 =	vadd.s32 $0x2070, v27;
	[tilespmem:s19+$0x1A00] =	vst v39  }
0x64: {  	v26 =	vand.u32 $0x7, v38;
	[tilespmem:s19+$0x1B00] =	vst v40  }
0x65: {  	[tilespmem:s19+$0x1C00] =	vst v41  }
0x66: {  	s20 =	sshra.s32 s21, $0x2;
	s21 =	sadd.s32 $0x40, s21;
	[tilespmem:s19+$0x1D00] =	vst v45  }
0x67: {  	v37 =	vld [tilespmem:s20+$0x0];
	[tilespmem:s19+$0x1E00] =	vst v34  }
0x68: {  	[tilespmem:s19+$0x1F00] =	vst v35  }
0x69: {  	v34 =	vld [tilespmem:s20+$0x100];
	[tilespmem:s19+$0x2000] =	vst v33  }
0x6a: {  	v33 =	vld [tilespmem:s20+$0x200];
	[tilespmem:s19+$0x2100] =	vst v32  }
0x6b: {  	[tilespmem:s19+$0x1600] =	vst v36  }
0x6c: {  	[tilespmem:s19+$0x1300] =	vst v31  }
0x6d: {  	[tilespmem:s19+$0x600] =	vst v29;
	v51 =	vtrunc.f32 v37  }
0x6e: {  	[tilespmem:s19+$0xA00] =	vst v30;
	v31 =	vcvt.f32.s32 v51;
	v29 =	vtrunc.f32 v34  }
0x6f: {  	[tilespmem:s19+$0xE00] =	vst v28;
	v29 =	vcvt.f32.s32 v29  }
0x70: {  	[tilespmem:s19+$0x1000] =	vst v22;
	v30 =	vtrunc.f32 v33;
	vm0 =	vgt.s32 v31, $0x0  }
0x71: {  	[tilespmem:s19+$0x1100] =	vst v23;
	v30 =	vcvt.f32.s32 v30;
	v28 =	vnsel vm0, $0x0, v31;
	vm11 =	vgt.s32 v29, $0x0  }
0x72: {  	[tilespmem:s19+$0x1200] =	vst v27;
	v22 =	vmin.u32 v28, $0x7E;
	v23 =	vnsel vm11, $0x0, v29  }
0x73: {  	[tilespmem:s19+$0x2300] =	vst v21;
	vm12 =	vgt.s32 v30, $0x0;
	v28 =	vshll.u32 v22, $0x7;
	v22 =	vcvt.s32.f32 v22  }
0x74: {  	[tilespmem:s19+$0x2400] =	vst v25;
	v23 =	vmin.u32 v23, $0x7E;
	v27 =	vnsel vm12, $0x0, v30;
	v28 =	vor.u32 v1, v28  }
0x75: {  	[tilespmem:s19+$0x2500] =	vst v24;
	v21 =	vmin.u32 v27, $0x7E;
	v27 =	vor.u32 v23, v28;
	v22 =	vsub.f32 v37, v22  }
0x76: {  	[tilespmem:s19+$0x2600] =	vst v26;
	v25 =	vshrl.u32 v21, $0x3;
	v27 =	vshll.u32 v27, $0x6  }
0x77: {  	v24 =	vor.u32 v25, v27;
	[tilespmem:s20+$0x2300] =	vst v22  }
0x78: {  	[tilespmem:s20+$0x300] =	vst v24;
	v25 =	vor.u32 $0x10, v24  }
0x79: {  	v27 =	vor.u32 $0x20, v24;
	[tilespmem:s20+$0x400] =	vst v25  }
0x7a: {  	v28 =	vadd.s32 $0x40, v24;
	[tilespmem:s20+$0x500] =	vst v27  }
0x7b: {  	v29 =	vadd.s32 $0x60, v24;
	[tilespmem:s20+$0x700] =	vst v28  }
0x7c: {  	v30 =	vadd.s32 $0x2000, v24;
	[tilespmem:s20+$0x900] =	vst v29  }
0x7d: {  	v23 =	vcvt.s32.f32 v23;
	v31 =	vadd.s32 $0x2010, v24;
	[tilespmem:s20+$0xB00] =	vst v30  }
0x7e: {  	v52 =	vadd.s32 $0x2020, v24;
	[tilespmem:s20+$0xC00] =	vst v31  }
0x7f: {  	v23 =	vsub.f32 v34, v23;
	v26 =	vadd.s32 $0x2071, v24;
	v53 =	vadd.s32 $0x2040, v24;
	[tilespmem:s20+$0xD00] =	vst v52  }
0x80: {  	vm13 =	vlt.s32 v26, $0x1FFFFF;
	[tilespmem:s20+$0xF00] =	vst v53  }
0x81: {  	v25 =	vmin.u32 v25, $0x1FFFFE;
	[tilespmem:s20+$0x2400] =	vst v23;
	v26 =	vnsel vm13, $0x1FFFFF, v26  }
0x82: {  	v25 =	vadd.s32 $0x1, v25;
	[tilespmem:s20+$0x2200] =	vst v26  }
0x83: {  	v27 =	vmin.u32 v27, $0x1FFFFE;
	v26 =	vadd.s32 $0x50, v24;
	[tilespmem:s20+$0x1400] =	vst v25  }
0x84: {  	v28 =	vmin.u32 v28, $0x1FFFFE;
	v25 =	vadd.s32 $0x1, v27;
	[tilespmem:s20+$0x800] =	vst v26  }
0x85: {  	v27 =	vadd.s32 $0x1, v28;
	v28 =	vmin.u32 v29, $0x1FFFFE;
	[tilespmem:s20+$0x1500] =	vst v25  }
0x86: {  	v26 =	vmin.u32 v26, $0x1FFFFE;
	v25 =	vadd.s32 $0x71, v24;
	[tilespmem:s20+$0x1700] =	vst v27;
	v27 =	vadd.s32 $0x1, v28  }
0x87: {  	v26 =	vadd.s32 $0x1, v26;
	vm14 =	vlt.s32 v25, $0x1FFFFF;
	[tilespmem:s20+$0x1900] =	vst v27  }
0x88: {  	v27 =	vmin.u32 v31, $0x1FFFFE;
	[tilespmem:s20+$0x1800] =	vst v26;
	v25 =	vnsel vm14, $0x1FFFFF, v25  }
0x89: {  	v26 =	vmin.u32 v30, $0x1FFFFE;
	v27 =	vadd.s32 $0x1, v27;
	[tilespmem:s20+$0x1A00] =	vst v25  }
0x8a: {  	v26 =	vadd.s32 $0x1, v26;
	[tilespmem:s20+$0x1C00] =	vst v27  }
0x8b: {  	v28 =	vmin.u32 v52, $0x1FFFFE;
	v25 =	vadd.s32 $0x2031, v24;
	v27 =	vadd.s32 $0x2050, v24;
	[tilespmem:s20+$0x1B00] =	vst v26  }
0x8c: {  	vm15 =	vlt.s32 v25, $0x1FFFFF;
	v26 =	vadd.s32 $0x1, v28;
	[tilespmem:s20+$0x1000] =	vst v27  }
0x8d: {  	v28 =	vmin.u32 v53, $0x1FFFFE;
	v25 =	vnsel vm15, $0x1FFFFF, v25;
	[tilespmem:s20+$0x1D00] =	vst v26  }
0x8e: {  	v29 =	vmin.u32 v27, $0x1FFFFE;
	v28 =	vadd.s32 $0x1, v28;
	[tilespmem:s20+$0x1E00] =	vst v25  }
0x8f: {  	v26 =	vadd.s32 $0x2060, v24;
	v29 =	vadd.s32 $0x1, v29;
	[tilespmem:s20+$0x1F00] =	vst v28  }
0x90: {  	v25 =	vmin.u32 v26, $0x1FFFFE;
	[tilespmem:s20+$0x2000] =	vst v29  }
0x91: {  	v28 =	vmin.u32 v24, $0x1FFFCE;
	[tilespmem:s20+$0x1100] =	vst v26;
	v25 =	vadd.s32 $0x1, v25  }
0x92: {  	v28 =	vadd.s32 $0x31, v28;
	[tilespmem:s20+$0x2100] =	vst v25  }
0x93: {  	v25 =	vadd.s32 $0x1, v24;
	[tilespmem:s20+$0x1600] =	vst v28  }
0x94: {  	v28 =	vor.u32 $0x30, v24;
	[tilespmem:s20+$0x1300] =	vst v25  }
0x95: {  	v25 =	vadd.s32 $0x70, v24;
	[tilespmem:s20+$0x600] =	vst v28  }
0x96: {  	v28 =	vadd.s32 $0x2030, v24;
	[tilespmem:s20+$0xA00] =	vst v25;
	v25 =	vcvt.s32.f32 v21  }
0x97: {  	v24 =	vadd.s32 $0x2070, v24;
	[tilespmem:s20+$0xE00] =	vst v28  }
0x98: {  	[tilespmem:s20+$0x1200] =	vst v24;
	v21 =	vand.u32 $0x7, v21;
	v24 =	vsub.f32 v33, v25  }
0x99: {  	[tilespmem:s20+$0x2600] =	vst v21  }
0x9a: {  	[tilespmem:s20+$0x2500] =	vst v24  }
0x9b: {  	[tilespmem:s13], [sflag:$0x1] =	stream.indirect.gather [hbm4b:s2+s11], $0x8, s12, s11, $0xb8;
	[tilespmem:$0x12F00] =	vst v63  }
0x9c: {  	s21 =	simm.s32 $0x0;
	_ =	swait.ge [sflag:s14], $0x10000  }
0x9d: {  	v58 =	vor.u32 s21, v0;
	v21 =	vmov s21;
	[sflag:s14] =	ssyncset.done $0x0  }
0x9e: {  	s19 =	simm.s32 $0x2600;
	v38 =	vshll.u32 v58, $0x3;
	v26 =	vshll.u32 v21, $0x3;
	[sflag:s14] =	ssyncadd.s32 $0xFFFF0000  }
0x9f: {  	v22 =	vadd.s32 v5, v26;
	v23 =	vadd.s32 v8, v26;
	v17 =	vadd.s32 v2, v26;
	s20 =	simm.s32 $0x2500;
	v27 =	vld [tilespmem:s19+$0x0]  }
0xa0: {  	v25 =	vadd.s32 v12, v26;
	v28 =	vadd.s32 v11, v26;
	v29 =	vadd.s32 v10, v26;
	v21 =	vld [tilespmem:s20+$0xFFFFFE00]  }
0xa1: {  	v30 =	vadd.s32 v16, v26;
	v31 =	vadd.s32 v15, v26;
	v54 =	vadd.s32 v14, v26  }
0xa2: {  	v55 =	vadd.s32 v6, v26;
	v45 =	vadd.s32 v13, v26;
	v60 =	vadd.s32 v4, v26  }
0xa3: {  	v1 =	vand.u32 $0x600, v26;
	v46 =	vadd.s32 v9, v26;
	v48 =	vadd.s32 v3, v26  }
0xa4: {  	v47 =	vadd.s32 $0x1, v27;
	v51 =	vand.u32 $0xFFFFFFF8, v27;
	v27 =	vand.u32 $0x7, v27  }
0xa5: {  	v63 =	vsub.f32 $1.000000000e+00, v21;
	v39 =	vadd.s32 v28, v51;
	v28 =	vadd.s32 v7, v26  }
0xa6: {  	v35 =	vadd.s32 v46, v51;
	v40 =	vshll.u32 v47, $0x9;
	v32 =	vadd.s32 v54, v51  }
0xa7: {  	v34 =	vadd.s32 v45, v51;
	v37 =	vand.u32 $0x7, v47;
	v33 =	vadd.s32 v55, v51  }
0xa8: {  	v18 =	vld [tilespmem:$0x1FFB0];
	v38 =	vadd.s32 v38, v51;
	v45 =	vadd.s32 v23, v51;
	v25 =	vadd.s32 v25, v51  }
0xa9: {  	v19 =	vld [tilespmem:$0x1FFC0];
	v31 =	vadd.s32 v31, v51;
	v30 =	vadd.s32 v30, v51;
	v35 =	vor.u32 v27, v35  }
0xaa: {  	v20 =	vld [tilespmem:$0x1FFD0];
	v24 =	vadd.s32 v17, v51;
	v34 =	vor.u32 v27, v34;
	v23 =	vand.u32 $0x1FFFF000, v40  }
0xab: {  	v17 =	vld [tilespmem:$0x1FFE0];
	v43 =	vadd.s32 v28, v51;
	v42 =	vor.u32 v27, v38;
	v23 =	vor.u32 v58, v23  }
0xac: {  	v28 =	vadd.s32 v22, v51;
	v22 =	vld [tilespmem:s20+$0xFFFFFF00];
	v50 =	vor.u32 v27, v25;
	v23 =	vshll.u32 v23, $0x3  }
0xad: {  	v29 =	vadd.s32 v29, v51;
	v30 =	vor.u32 v27, v30;
	v57 =	vor.u32 v37, v23;
	v23 =	vld [tilespmem:s20+$0x0]  }
0xae: {  	v38 =	vor.u32 v27, v32;
	v46 =	vor.u32 v27, v31;
	v54 =	vor.u32 v27, v39;
	v40 =	vld.idx.msk [tilespmem:v35+s13+$0x0], $0xffff  }
0xaf: {  	v31 =	vor.u32 v27, v33;
	v47 =	vor.u32 v27, v45;
	v28 =	vor.u32 v27, v28;
	v41 =	vld.idx.msk [tilespmem:v34+s13+$0x0], $0xffff  }
0xb0: {  	v44 =	vor.u32 v27, v43;
	v43 =	vor.u32 v27, v29;
	v61 =	vor.u32 $0x4000, v57;
	v42 =	vld.idx.msk [tilespmem:v42+s13+$0x0], $0xffff  }
0xb1: {  	v16 =	vmovc v15;
	v59 =	vor.u32 $0x2000, v57;
	v56 =	vor.u32 $0x800, v57;
	v52 =	vor.u32 $0x4800, v57;
	v35 =	vld.idx.msk [tilespmem:v50+s13+$0x0], $0xffff  }
0xb2: {  	v15 =	vmovc v14;
	v14 =	vmovc v13;
	v0 =	vor.u32 $0x2800, v57;
	v32 =	vor.u32 $0x1800, v57;
	v36 =	vor.u32 $0x3000, v57;
	v49 =	vld.idx.msk [tilespmem:v30+s13+$0x0], $0xffff  }
0xb3: {  	v13 =	vmovc v12;
	v12 =	vmovc v11;
	v55 =	vor.u32 $0x1000, v57;
	v45 =	vor.u32 $0x5800, v57;
	v39 =	vor.u32 $0x7800, v57;
	v54 =	vld.idx.msk [tilespmem:v54+s13+$0x0], $0xffff  }
0xb4: {  	v11 =	vmovc v10;
	v10 =	vmovc v9;
	v37 =	vor.u32 $0x6000, v57;
	v33 =	vor.u32 $0x6800, v57;
	v62 =	vsub.f32 $1.000000000e+00, v22;
	v53 =	vld.idx.msk [tilespmem:v57+s13+$0x0], $0xffff  }
0xb5: {  	v9 =	vmovc v8;
	v8 =	vmovc v7;
	v29 =	vor.u32 $0x7000, v57;
	v50 =	vor.u32 $0x3800, v57;
	v30 =	vadd.s32 v60, v51;
	v61 =	vld.idx.msk [tilespmem:v61+s13+$0x0], $0xffff  }
0xb6: {  	v7 =	vmovc v6;
	v34 =	vor.u32 $0x5000, v57;
	v25 =	vmul.f32 v62, v63;
	v57 =	vor.u32 v27, v30;
	v60 =	vld.idx.msk [tilespmem:v59+s13+$0x0], $0xffff  }
0xb7: {  	v6 =	vmovc v5;
	v30 =	vadd.s32 v48, v51;
	v48 =	vor.u32 v27, v24;
	v24 =	vand.u32 $0x3F, v58;
	v51 =	vld.idx.msk [tilespmem:v32+s13+$0x0], $0xffff  }
0xb8: {  	v5 =	vmovc v4;
	v58 =	vand.u32 $0x38, v58;
	v32 =	vor.u32 v27, v30;
	v59 =	vld.idx.msk [tilespmem:v36+s13+$0x0], $0xffff;
	v36 =	vmul.f32 v22, v63  }
0xb9: {  	v56 =	vld.idx.msk [tilespmem:v56+s13+$0x0], $0xffff;
	v30 =	vor.u32 v26, v24;
	v24 =	vor.u32 v1, v58;
	v27 =	vmul.f32 v62, v21  }
0xba: {  	s21 =	simm.s32 $0x10;
	v4 =	vmovc v3;
	v3 =	vmovc v2;
	v26 =	vor.u32 v58, v26;
	v58 =	vld.idx.msk [tilespmem:v0+s13+$0x0], $0xffff;
	v1 =	vlaneseq.u32;
	v61 =	vsub.f32 v61, v40  }
.LBB2_5:
0xbb: {  	v55 =	vld.idx.msk [tilespmem:v55+s13+$0x0], $0xffff  }
0xbc: {  	v46 =	vld.idx.msk [tilespmem:v46+s13+$0x0], $0xffff  }
0xbd: {  	v38 =	vld.idx.msk [tilespmem:v38+s13+$0x0], $0xffff  }
0xbe: {  	v57 =	vld.idx.msk [tilespmem:v57+s13+$0x0], $0xffff  }
0xbf: {  	v44 =	vld.idx.msk [tilespmem:v44+s13+$0x0], $0xffff  }
0xc0: {  	v48 =	vld.idx.msk [tilespmem:v48+s13+$0x0], $0xffff  }
0xc1: {  	v39 =	vld.idx.msk [tilespmem:v39+s13+$0x0], $0xffff  }
0xc2: {  	v28 =	vld.idx.msk [tilespmem:v28+s13+$0x0], $0xffff  }
0xc3: {  	v37 =	vld.idx.msk [tilespmem:v37+s13+$0x0], $0xffff  }
0xc4: {  	v34 =	vld.idx.msk [tilespmem:v34+s13+$0x0], $0xffff  }
0xc5: {  	v33 =	vld.idx.msk [tilespmem:v33+s13+$0x0], $0xffff  }
0xc6: {  	v29 =	vld.idx.msk [tilespmem:v29+s13+$0x0], $0xffff  }
0xc7: {  	v32 =	vld.idx.msk [tilespmem:v32+s13+$0x0], $0xffff;
	v60 =	vsub.f32 v60, v41  }
0xc8: {  	v52 =	vld.idx.msk [tilespmem:v52+s13+$0x0], $0xffff;
	v53 =	vsub.f32 v53, v42;
	v56 =	vsub.f32 v56, v49  }
0xc9: {  	v50 =	vld.idx.msk [tilespmem:v50+s13+$0x0], $0xffff;
	v30 =	vand.u32 v18, v30;
	v59 =	vsub.f32 v59, v54;
	v55 =	vsub.f32 v55, v46  }
0xca: {  	v45 =	vld.idx.msk [tilespmem:v45+s13+$0x0], $0xffff;
	v21 =	vmul.f32 v22, v21;
	v51 =	vsub.f32 v51, v38;
	v39 =	vsub.f32 v39, v48  }
0xcb: {  	v31 =	vld.idx.msk [tilespmem:v31+s13+$0x0], $0xffff;
	v61 =	vmul.f32 v61, v23;
	v37 =	vsub.f32 v37, v28;
	v34 =	vsub.f32 v34, v44  }
0xcc: {  	v43 =	vld.idx.msk [tilespmem:v43+s13+$0x0], $0xffff;
	v33 =	vsub.f32 v33, v57;
	v29 =	vsub.f32 v29, v32;
	v60 =	vmul.f32 v60, v23  }
0xcd: {  	v47 =	vld.idx.msk [tilespmem:v47+s13+$0x0], $0xffff;
	v40 =	vadd.f32 v61, v40;
	v53 =	vmul.f32 v53, v23;
	v56 =	vmul.f32 v56, v23  }
0xce: {  	v63 =	vmul.f32 v59, v23;
	v55 =	vmul.f32 v55, v23;
	v61 =	vadd.f32 v60, v41  }
0xcf: {  	v51 =	vmul.f32 v51, v23;
	v62 =	vadd.f32 v53, v42;
	v60 =	vadd.f32 v56, v49  }
0xd0: {  	v37 =	vmul.f32 v37, v23;
	v53 =	vadd.f32 v63, v54;
	v56 =	vsub.f32 v45, v31  }
0xd1: {  	v40 =	vmul.f32 v40, v27;
	v46 =	vadd.f32 v55, v46;
	v38 =	vadd.f32 v51, v38  }
0xd2: {  	v51 =	vsub.f32 v50, v43;
	v55 =	vsub.f32 v52, v47;
	v41 =	vmul.f32 v61, v36  }
0xd3: {  	v28 =	vadd.f32 v37, v28;
	v42 =	vmul.f32 v62, v25;
	v49 =	vmul.f32 v60, v25  }
0xd4: {  	v61 =	vsub.f32 v58, v35;
	v53 =	vmul.f32 v53, v36;
	v46 =	vmul.f32 v46, v25  }
0xd5: {  	v25 =	vmul.f32 v38, v25;
	v54 =	vmul.f32 v51, v23;
	v42 =	vadd.f32 $0.0e+00, v42  }
0xd6: {  	v28 =	vmul.f32 v28, v21;
	v62 =	vmul.f32 v61, v23;
	v49 =	vadd.f32 $0.0e+00, v49  }
0xd7: {  	v38 =	vadd.f32 v54, v43;
	v41 =	vadd.f32 v41, v42;
	v42 =	vmul.f32 v56, v23  }
0xd8: {  	v61 =	vmul.f32 v39, v23;
	v58 =	vadd.f32 $0.0e+00, v46;
	v25 =	vadd.f32 $0.0e+00, v25  }
0xd9: {  	v63 =	vadd.f32 v62, v35;
	v60 =	vmul.f32 v38, v36;
	v31 =	vadd.f32 v42, v31  }
0xda: {  	v39 =	vmul.f32 v34, v23;
	v59 =	vadd.f32 v53, v58;
	v40 =	vadd.f32 v40, v41  }
0xdb: {  	v41 =	vmul.f32 v55, v23;
	v25 =	vadd.f32 v60, v25;
	v31 =	vmul.f32 v31, v27  }
0xdc: {  	v38 =	vadd.f32 v61, v48;
	v35 =	vmul.f32 v63, v36;
	v42 =	vor.u32 v19, v24  }
0xdd: {  	v62 =	vadd.f32 v41, v47;
	v22 =	vadd.f32 v31, v25;
	v25 =	vmul.f32 v33, v23  }
0xde: {  	v24 =	vor.u32 v20, v24;
	v33 =	vadd.f32 v39, v44;
	v23 =	vmul.f32 v29, v23  }
0xdf: {  	v35 =	vadd.f32 v35, v49;
	v63 =	vmul.f32 v62, v27;
	v25 =	vadd.f32 v25, v57  }
0xe0: {  	v41 =	vmul.f32 v38, v21;
	v27 =	vmul.f32 v33, v27;
	v23 =	vadd.f32 v23, v32  }
0xe1: {  	v28 =	vadd.f32 v28, v40;
	v31 =	vadd.f32 v63, v35;
	v25 =	vmul.f32 v25, v21  }
0xe2: {  	v29 =	vor.u32 v17, v26;
	v27 =	vadd.f32 v27, v59;
	v21 =	vmul.f32 v23, v21  }
0xe3: {  	v25 =	vadd.f32 v25, v31  }
0xe4: {  	[tilespmem:v30+s15+$0x0] =	vst.idx.msk $0xffff, v28;
	v21 =	vadd.f32 v21, v27  }
0xe5: {  	s22 =	smov.u32 s21;
	v22 =	vadd.f32 v41, v22;
	[tilespmem:v42+s15+$0x0] =	vst.idx.msk $0xffff, v25  }
0xe6: {  	v26 =	vmov s22;
	[tilespmem:v24+s15+$0x0] =	vst.idx.msk $0xffff, v21  }
0xe7: {  	s19 =	sadd.s32 $0x10, s19;
	v0 =	vld [tilespmem:$0x1FFF0];
	v58 =	vor.u32 s22, v1;
	v26 =	vshll.u32 v26, $0x3;
	[tilespmem:v29+s15+$0x0] =	vst.idx.msk $0xffff, v22  }
0xe8: {  	s20 =	sadd.s32 $0x10, s20;
	v53 =	vshll.u32 v58, $0x3;
	v28 =	vadd.s32 v6, v26;
	v30 =	vadd.s32 v3, v26;
	v22 =	vld [tilespmem:s19+$0x0]  }
0xe9: {  	v32 =	vadd.s32 v11, v26;
	v44 =	vadd.s32 v7, v26;
	v45 =	vadd.s32 v14, v26;
	v21 =	vld [tilespmem:s20+$0xFFFFFE00]  }
0xea: {  	v36 =	vadd.s32 v5, v26;
	v54 =	vand.u32 $0x600, v26;
	v46 =	vadd.s32 v10, v26  }
0xeb: {  	v48 =	vadd.s32 v4, v26;
	v55 =	vadd.s32 v8, v26;
	v23 =	vadd.s32 v9, v26  }
0xec: {  	v27 =	vadd.s32 v12, v26;
	v31 =	vadd.s32 v16, v26;
	v25 =	vadd.s32 v13, v26  }
0xed: {  	v24 =	vadd.s32 v0, v26;
	v29 =	vadd.s32 v15, v26;
	v47 =	vadd.s32 $0x1, v22  }
0xee: {  	v51 =	vand.u32 $0xFFFFFFF8, v22;
	v59 =	vand.u32 $0x7, v22;
	v61 =	vsub.f32 $1.000000000e+00, v21  }
0xef: {  	v27 =	vadd.s32 v27, v51;
	v35 =	vadd.s32 v46, v51;
	v39 =	vadd.s32 v55, v51  }
0xf0: {  	v28 =	vadd.s32 v28, v51;
	v56 =	vshll.u32 v47, $0x9;
	v29 =	vadd.s32 v29, v51  }
0xf1: {  	v34 =	vadd.s32 v45, v51;
	v37 =	vand.u32 $0x7, v47;
	v35 =	vor.u32 v59, v35  }
0xf2: {  	v57 =	vadd.s32 v53, v51;
	v45 =	vadd.s32 v23, v51;
	v23 =	vor.u32 v59, v34  }
0xf3: {  	v33 =	vadd.s32 v44, v51;
	v25 =	vadd.s32 v25, v51;
	v60 =	vor.u32 v59, v57  }
0xf4: {  	v31 =	vadd.s32 v31, v51;
	v38 =	vor.u32 v59, v29;
	v29 =	vand.u32 $0x1FFFF000, v56  }
0xf5: {  	v22 =	vld [tilespmem:s20+$0xFFFFFF00];
	v24 =	vadd.s32 v24, v51;
	v63 =	vor.u32 v59, v25;
	v29 =	vor.u32 v58, v29  }
0xf6: {  	v32 =	vadd.s32 v32, v51;
	v24 =	vor.u32 v59, v24;
	v29 =	vshll.u32 v29, $0x3;
	v40 =	vld.idx.msk [tilespmem:v35+s13+$0x0], $0xffff  }
0xf7: {  	v30 =	vadd.s32 v30, v51;
	v46 =	vor.u32 v59, v31;
	v29 =	vor.u32 v37, v29;
	v41 =	vld.idx.msk [tilespmem:v23+s13+$0x0], $0xffff  }
0xf8: {  	v28 =	vor.u32 v59, v28;
	v31 =	vor.u32 v59, v33;
	v33 =	vor.u32 $0x4000, v29;
	v42 =	vld.idx.msk [tilespmem:v60+s13+$0x0], $0xffff  }
0xf9: {  	v44 =	vor.u32 v59, v39;
	v43 =	vor.u32 v59, v32;
	v56 =	vor.u32 $0x800, v29;
	v23 =	vld [tilespmem:s20+$0x0]  }
0xfa: {  	v0 =	vor.u32 v59, v27;
	v47 =	vor.u32 v59, v45;
	v57 =	vor.u32 $0x2000, v29;
	v35 =	vld.idx.msk [tilespmem:v63+s13+$0x0], $0xffff  }
0xfb: {  	v62 =	vsub.f32 $1.000000000e+00, v22;
	v52 =	vor.u32 $0x4800, v29;
	v32 =	vor.u32 $0x1800, v29;
	v49 =	vld.idx.msk [tilespmem:v24+s13+$0x0], $0xffff  }
0xfc: {  	v27 =	vor.u32 $0x3000, v29;
	v55 =	vor.u32 $0x1000, v29;
	v50 =	vor.u32 $0x3800, v29;
	v53 =	vld.idx.msk [tilespmem:v29+s13+$0x0], $0xffff  }
0xfd: {  	v45 =	vor.u32 $0x5800, v29;
	v39 =	vor.u32 $0x7800, v29;
	v34 =	vor.u32 $0x5000, v29;
	v2 =	vld.idx.msk [tilespmem:v33+s13+$0x0], $0xffff  }
0xfe: {  	p0 =	sne.s32 s21, $0xF0;
	v37 =	vor.u32 $0x6000, v29;
	v25 =	vmul.f32 v62, v61;
	v63 =	vor.u32 $0x2800, v29;
	v56 =	vld.idx.msk [tilespmem:v56+s13+$0x0], $0xffff  }
.Ltmp1:
0xff: {  	v24 =	vadd.s32 v36, v51;
	v36 =	vmul.f32 v22, v61;
	v33 =	vor.u32 $0x6800, v29;
	v60 =	vld.idx.msk [tilespmem:v57+s13+$0x0], $0xffff;
	(pc) =	sbr.rel @p0 .LBB2_5-.Ltmp1, $4  }
0x100: {  	v57 =	vor.u32 v59, v24;
	v24 =	vadd.s32 v48, v51;
	v48 =	vor.u32 v59, v30;
	v51 =	vld.idx.msk [tilespmem:v32+s13+$0x0], $0xffff  }
0x101: {  	v32 =	vor.u32 v59, v24;
	v24 =	vand.u32 $0x3F, v58;
	v58 =	vand.u32 $0x38, v58;
	v59 =	vld.idx.msk [tilespmem:v27+s13+$0x0], $0xffff  }
0x102: {  	v29 =	vor.u32 $0x7000, v29;
	v30 =	vor.u32 v26, v24;
	v24 =	vor.u32 v54, v58;
	v54 =	vld.idx.msk [tilespmem:v0+s13+$0x0], $0xffff  }
0x103: {  	s21 =	sadd.s32 $0x10, s21;
	v27 =	vmul.f32 v62, v21;
	v26 =	vor.u32 v58, v26;
	v58 =	vld.idx.msk [tilespmem:v63+s13+$0x0], $0xffff;
	v61 =	vsub.f32 v2, v40  }
0x104: {  	_ =	sdelay $0x3  }
0x105: {  	v0 =	vld.idx.msk [tilespmem:v55+s13+$0x0], $0xffff  }
0x106: {  	v2 =	vld.idx.msk [tilespmem:v52+s13+$0x0], $0xffff  }
0x107: {  	v46 =	vld.idx.msk [tilespmem:v46+s13+$0x0], $0xffff  }
0x108: {  	v38 =	vld.idx.msk [tilespmem:v38+s13+$0x0], $0xffff  }
0x109: {  	v57 =	vld.idx.msk [tilespmem:v57+s13+$0x0], $0xffff  }
0x10a: {  	v50 =	vld.idx.msk [tilespmem:v50+s13+$0x0], $0xffff  }
0x10b: {  	v44 =	vld.idx.msk [tilespmem:v44+s13+$0x0], $0xffff  }
0x10c: {  	v43 =	vld.idx.msk [tilespmem:v43+s13+$0x0], $0xffff  }
0x10d: {  	v47 =	vld.idx.msk [tilespmem:v47+s13+$0x0], $0xffff  }
0x10e: {  	v48 =	vld.idx.msk [tilespmem:v48+s13+$0x0], $0xffff  }
0x10f: {  	v39 =	vld.idx.msk [tilespmem:v39+s13+$0x0], $0xffff  }
0x110: {  	v62 =	vsub.f32 v60, v41;
	v28 =	vld.idx.msk [tilespmem:v28+s13+$0x0], $0xffff  }
0x111: {  	v53 =	vsub.f32 v53, v42;
	v63 =	vsub.f32 v56, v49;
	v37 =	vld.idx.msk [tilespmem:v37+s13+$0x0], $0xffff  }
0x112: {  	v34 =	vld.idx.msk [tilespmem:v34+s13+$0x0], $0xffff;
	v60 =	vmul.f32 v61, v23;
	v52 =	vmul.f32 v62, v23  }
0x113: {  	v33 =	vld.idx.msk [tilespmem:v33+s13+$0x0], $0xffff;
	v53 =	vmul.f32 v53, v23;
	v55 =	vmul.f32 v63, v23;
	v59 =	vsub.f32 v59, v54  }
0x114: {  	v29 =	vld.idx.msk [tilespmem:v29+s13+$0x0], $0xffff;
	v40 =	vadd.f32 v60, v40;
	v61 =	vadd.f32 v52, v41  }
0x115: {  	v32 =	vld.idx.msk [tilespmem:v32+s13+$0x0], $0xffff;
	v30 =	vand.u32 v18, v30;
	v62 =	vadd.f32 v53, v42;
	v56 =	vadd.f32 v55, v49  }
0x116: {  	v45 =	vld.idx.msk [tilespmem:v45+s13+$0x0], $0xffff;
	v63 =	vmul.f32 v59, v23;
	v59 =	vsub.f32 v58, v35;
	v0 =	vsub.f32 v0, v46  }
0x117: {  	v31 =	vld.idx.msk [tilespmem:v31+s13+$0x0], $0xffff;
	v21 =	vmul.f32 v22, v21;
	v51 =	vsub.f32 v51, v38;
	v2 =	vsub.f32 v2, v47  }
0x118: {  	v26 =	vor.u32 v17, v26;
	v39 =	vsub.f32 v39, v48;
	v37 =	vsub.f32 v37, v28  }
0x119: {  	v40 =	vmul.f32 v40, v27;
	v34 =	vsub.f32 v34, v44;
	v33 =	vsub.f32 v33, v57  }
0x11a: {  	v29 =	vsub.f32 v29, v32;
	v42 =	vmul.f32 v62, v25;
	v49 =	vmul.f32 v56, v25  }
0x11b: {  	v41 =	vmul.f32 v61, v36;
	v62 =	vsub.f32 v50, v43;
	v53 =	vmul.f32 v59, v23  }
0x11c: {  	v50 =	vsub.f32 v45, v31;
	v0 =	vmul.f32 v0, v23;
	v51 =	vmul.f32 v51, v23  }
0x11d: {  	v52 =	vadd.f32 v63, v54;
	v2 =	vmul.f32 v2, v23;
	v55 =	vmul.f32 v39, v23  }
0x11e: {  	v56 =	vmul.f32 v37, v23;
	v34 =	vmul.f32 v34, v23;
	v42 =	vadd.f32 $0.0e+00, v42  }
0x11f: {  	v58 =	vmul.f32 v33, v23;
	v49 =	vadd.f32 $0.0e+00, v49;
	v60 =	vadd.f32 v53, v35  }
0x120: {  	v63 =	vmul.f32 v62, v23;
	v0 =	vadd.f32 v0, v46;
	v38 =	vadd.f32 v51, v38  }
0x121: {  	v61 =	vmul.f32 v52, v36;
	v2 =	vadd.f32 v2, v47;
	v28 =	vadd.f32 v56, v28  }
0x122: {  	v53 =	vmul.f32 v50, v23;
	v59 =	vadd.f32 v55, v48;
	v34 =	vadd.f32 v34, v44  }
0x123: {  	v22 =	vadd.f32 v58, v57;
	v41 =	vadd.f32 v41, v42;
	v35 =	vmul.f32 v60, v36  }
0x124: {  	v52 =	vadd.f32 v63, v43;
	v0 =	vmul.f32 v0, v25;
	v51 =	vmul.f32 v38, v25  }
0x125: {  	v63 =	vor.u32 v20, v24;
	v2 =	vmul.f32 v2, v27;
	v60 =	vmul.f32 v29, v23  }
0x126: {  	v31 =	vadd.f32 v53, v31;
	v28 =	vmul.f32 v28, v21;
	v62 =	vmul.f32 v34, v27  }
0x127: {  	v22 =	vmul.f32 v22, v21;
	v40 =	vadd.f32 v40, v41;
	v0 =	vadd.f32 $0.0e+00, v0  }
0x128: {  	v54 =	vmul.f32 v52, v36;
	v35 =	vadd.f32 v35, v49;
	v25 =	vadd.f32 $0.0e+00, v51  }
0x129: {  	v23 =	vadd.f32 v60, v32;
	v0 =	vadd.f32 v61, v0;
	v61 =	vor.u32 v19, v24  }
0x12a: {  	v31 =	vmul.f32 v31, v27;
	v25 =	vadd.f32 v54, v25;
	v2 =	vadd.f32 v2, v35  }
0x12b: {  	v28 =	vadd.f32 v28, v40;
	v23 =	vmul.f32 v23, v21;
	v0 =	vadd.f32 v62, v0  }
0x12c: {  	v21 =	vmul.f32 v59, v21;
	v25 =	vadd.f32 v31, v25;
	v2 =	vadd.f32 v22, v2  }
0x12d: {  	[tilespmem:v30+s15+$0x0] =	vst.idx.msk $0xffff, v28;
	v0 =	vadd.f32 v23, v0  }
0x12e: {  	s17 =	sadd.s32 $0x1, s17;
	v21 =	vadd.f32 v21, v25;
	[tilespmem:v61+s15+$0x0] =	vst.idx.msk $0xffff, v2  }
0x12f: {  	p0 =	sne.s32 s17, $0x40;
	[tilespmem:v63+s15+$0x0] =	vst.idx.msk $0xffff, v0  }
.Ltmp2:
0x130: {  	s18 =	sadd.s32 s5, s18;
	[tilespmem:v26+s15+$0x0] =	vst.idx.msk $0xffff, v21;
	(pc) =	sbr.rel @p0 .LBB2_2-.Ltmp2, $4  }
0x131: {  	[hbm4b:s18+s4] =	stream.linear.scatter [tilespmem:s15], [sflag:$0x2], $0x800, $0x38;
	[tilespmem:$0x12F00] =	vst v63  }
0x132: {  	v0 =	vlaneseq.u32;
	v2 =	vmovc v3;
	v3 =	vmovc v4;
	v4 =	vmov v5;
	v5 =	vmov v6;
	_ =	swait.ge [sflag:s8], $0x800  }
0x133: {  	v6 =	vmovc v7;
	v7 =	vmovc v8;
	v8 =	vmov v9;
	v9 =	vmov v10;
	v10 =	vmov v11;
	[sflag:s8] =	ssyncset.done $0x0;
	v1 =	vld [tilespmem:$0x1FFA0]  }
0x134: {  	v11 =	vmovc v12;
	v12 =	vmovc v13;
	v13 =	vmov v14;
	v14 =	vmov v15;
	v15 =	vmov v16;
	v16 =	vld [tilespmem:$0x1FFF0];
	[sflag:s8] =	ssyncadd.s32 $0xFFFFF800  }
0x135: {  	s16 =	sadd.s32 $0x1, s16  }
0x136: {  	p0 =	sne.s32 s16, s7  }
.Ltmp3:
0x137: {  	_ = 	snop;
	(pc) =	sbr.rel @p0 .LBB2_1-.Ltmp3, $1  }
0x138: {  	_ =	sdelay $0x3  }
0x139: {  	_ =	sfence.sel $0x180000  }
0x13a: {  	[bflag:$0x0] =	sbarrier.arrive $0xFFFF  }
0x13b: {  	p0 =	sne.s32 s1, $0x0;
	_ =	strace $0x90000047  }
0x13c: {  	s0 =	sadd.s32 @!p0 $0x100000, s0;
	[bflag:$0x2] =	sbarrier.arrive $0xFFFF  }
0x13d: {  	[sflag:s0] =	ssyncadd.tile.s32 @!p0 $0x1;
	_ =	shalt  }
.Lfunc_end2:
_tile_overlayer_lowered:
.L_overlay_start_2:
0x13e: {  	(tag) =	ssettag $0x2  }
0x13f: {  	s0 =	rddreg [dreg:$0x0];
	s2 =	stileid.u32  }
0x140: {  	s1 =	rddreg [dreg:$0x1];
	p0 =	sne.s32 s2, $0x0  }
0x141: {  	s3 =	rddreg [dreg:$0x2];
	[bflag:$0x3] =	sbarrier.arrive $0xFFFF;
	s2 =	simm.s32 @!p0 $0x1C02  }
0x142: {  	[timem:s3], [sflag:s2] =	dma.local @!p0 [hbm:s0], s1  }
0x143: {  	s0 =	simm.s32 @!p0 $0x2  }
0x144: {  	_ =	swait.ge @!p0 [sflag:s0], s1  }
0x145: {  	s1 =	ssub.s32 @!p0 $0x0, s1;
	[sflag:s0] =	ssyncset.done @!p0 $0x0  }
0x146: {  	[sflag:s0] =	ssyncadd.s32 @!p0 s1  }
0x147: {  	[bflag:$0x3] =	sbarrier.arrive $0xFFFF  }
0x148: {  	_ =	shalt  }

</sc_bundles>
